<compile_context>
chip_gen: v7x
topology: tpu7x:2x2x1
jax: 0.10.2.dev20260603
libtpu: 0.0.44.dev20260713+nightly
codegen_flags: <defaults>
</compile_context>

<pallas_src>
import functools

import jax
import jax.numpy as jnp
from jax import lax
from jax.experimental import pallas as pl
from jax.experimental.pallas import tpu as pltpu
from jax.experimental.pallas import tpu_sc as plsc

NC = 2
NS = 16
NW = NC * NS

BATCH = 4096
SEQ = 200
D = 64
TOTAL_ROWS = BATCH * SEQ
ROWS_PER_W = TOTAL_ROWS // NW
CH = 128
NCH = ROWS_PER_W // CH
NPAIR = NCH // 2


def _body(x_hbm, table_hbm, pe_hbm, out_hbm,
          idx_v, pe_v, rows_a, rows_b, sem_a, sem_b):
    cid = lax.axis_index("c")
    sid = lax.axis_index("s")
    wid = sid * NC + cid
    base = wid * ROWS_PER_W

    pltpu.sync_copy(x_hbm.at[pl.ds(base, ROWS_PER_W)], idx_v)
    pltpu.sync_copy(pe_hbm, pe_v)

    bufs = (rows_a, rows_b)
    sems = (sem_a, sem_b)

    def start_gather(j, buf, sem):
        return pltpu.async_copy(table_hbm.at[idx_v.at[pl.ds(j * CH, CH)]], buf, sem)

    def wait_gather(j, buf, sem):
        pltpu.make_async_copy(table_hbm.at[idx_v.at[pl.ds(j * CH, CH)]], buf, sem).wait()

    def process(j, buf):
        phase = lax.rem(j * CH, SEQ)

        def row(r, c2):
            off = phase + r
            off = jnp.where(off >= SEQ, off - SEQ, off)
            for c in range(D // 16):
                sl = pl.ds(c * 16, 16)
                plsc.addupdate(buf.at[r, sl], pe_v[off, sl])
            return c2

        lax.fori_loop(0, CH, row, 0, unroll=4)
        pltpu.sync_copy(buf, out_hbm.at[pl.ds(base + j * CH, CH)])

    start_gather(0, bufs[0], sems[0])

    def pair(p, carry):
        for parity in range(2):
            j = 2 * p + parity
            buf, sem = bufs[parity], sems[parity]
            nbuf, nsem = bufs[1 - parity], sems[1 - parity]
            wait_gather(j, buf, sem)
            @pl.when(j + 1 < NCH)
            def _():
                start_gather(j + 1, nbuf, nsem)
            process(j, buf)
        return carry

    lax.fori_loop(0, NPAIR, pair, 0)


def kernel(x, table, pe):
    x_flat = x.reshape(TOTAL_ROWS).astype(jnp.int32)
    pe2d = pe.reshape(SEQ, D).astype(jnp.float32)

    mesh = plsc.VectorSubcoreMesh(core_axis_name="c", subcore_axis_name="s")
    out = pl.kernel(
        _body,
        out_type=jax.ShapeDtypeStruct((TOTAL_ROWS, D), jnp.float32),
        mesh=mesh,
        scratch_types=[
            pltpu.VMEM((ROWS_PER_W,), jnp.int32),
            pltpu.VMEM((SEQ, D), jnp.float32),
            pltpu.VMEM((CH, D), jnp.float32),
            pltpu.VMEM((CH, D), jnp.float32),
            pltpu.SemaphoreType.DMA,
            pltpu.SemaphoreType.DMA,
        ],
        compiler_params=pltpu.CompilerParams(use_tc_tiling_on_sc=False),
    )(x_flat, table, pe2d)
    return out.reshape(BATCH, SEQ, D)

# --- scband reference (transcript-rebuilt; emitter-appended) ---
"""Pipeline reference for scband-initial-layer-15333033247338 (READ-ONLY COPY).

The authoritative reference and input builder live on the scoring server;
editing this copy changes nothing except your own understanding.
"""

import jax, jax.numpy as jnp
import numpy as np

VOCAB = 1000000
EMBED_DIM = 64
SEQ_LEN = 200
BATCH = 4096
L = 200


def make_pe(seq_len, d_k):
    positions = np.arange(seq_len, dtype=np.float32)[:, None]
    div = np.exp(np.arange(0, d_k, 2).astype(np.float32) * -(np.log(10000.0) / d_k))
    pe = np.zeros((seq_len, d_k), dtype=np.float32)
    pe[:, 0::2] = np.sin(positions * div)
    pe[:, 1::2] = np.cos(positions * div)
    return jnp.asarray(pe[None, :, :])  # [1, seq_len, d_k]


def setup_inputs(seed: int = 0) -> dict:
    key = jax.random.key(seed)
    k_idx, k_tab = jax.random.split(key)
    x = jax.random.randint(k_idx, (BATCH, L), 0, VOCAB, dtype=jnp.int64)
    table = jax.random.normal(k_tab, (VOCAB, EMBED_DIM), dtype=jnp.float32)
    pe = make_pe(SEQ_LEN, EMBED_DIM)
    return {"x": x, "table": table, "pe": pe}


def reference(x, table, pe):
    # inputEmbedding: gather rows from the embedding table
    emb = jnp.take(table, x, axis=0)  # [B, L, D]
    # positionalEncoding: add (non-trainable) sinusoidal buffer
    out = emb + pe[:, : emb.shape[1], :]
    return out

if __name__ == "__main__":
    import jax
    _d = setup_inputs()
    print(jax.jit(kernel)(*tuple(_d.values())))

</pallas_src>

<mosaic_0001>
#map = affine_map<(d0, d1) -> (0)>
#map1 = affine_map<(d0, d1) -> (0, 0)>
module attributes {stable_mosaic.version = 14 : i64} {
  func.func @_body(%arg0: i32, %arg1: i32, %arg2: memref<819200xi32, #tpu.memory_space<hbm>>, %arg3: memref<1000000x64xf32, #tpu.memory_space<hbm>>, %arg4: memref<200x64xf32, #tpu.memory_space<hbm>>, %arg5: memref<819200x64xf32, #tpu.memory_space<hbm>>, %arg6: memref<25600xi32, #tpu.memory_space<vmem>>, %arg7: memref<200x64xf32, #tpu.memory_space<vmem>>, %arg8: memref<128x64xf32, #tpu.memory_space<vmem>>, %arg9: memref<128x64xf32, #tpu.memory_space<vmem>>, %arg10: memref<!tpu.dma_semaphore, #tpu.memory_space<semaphore_mem>>, %arg11: memref<!tpu.dma_semaphore, #tpu.memory_space<semaphore_mem>>) attributes {dimension_semantics = [#tpu.dimension_semantics<core_parallel>, #tpu.dimension_semantics<subcore_parallel>], iteration_bounds = array<i64: 2, 16>, scalar_prefetch = 0 : i64, scratch_operands = 6 : i64, tpu.core_type = #tpu.core_type<sc_vector_subcore>, window_params = [{transform_indices = #map}, {transform_indices = #map1}, {transform_indices = #map1}, {transform_indices = #map1}]} {
    %mul3A = arith.constant 2 : i32
    %mul3A_0 = arith.muli %arg1, %mul3A : i32
    %add3A = arith.addi %mul3A_0, %arg0 : i32
    %mul3A_1 = arith.constant 25600 : i32
    %mul3A_2 = arith.muli %add3A, %mul3A_1 : i32
    "tpu.region"() ({
      %run_scoped3A = tpu.sem_alloc : memref<!tpu.dma_semaphore, #tpu.memory_space<semaphore_mem>>
      %dma_start3A_12 = tpu.memref_slice %arg2[%mul3A_2] : memref<819200xi32, #tpu.memory_space<hbm>> -> memref<25600xi32, #tpu.memory_space<hbm>>
      %dma_start3A_13 = tpu.memref_slice %arg2[%mul3A_2] : memref<819200xi32, #tpu.memory_space<hbm>> -> memref<25600xi32, #tpu.memory_space<hbm>>
      tpu.enqueue_dma source(%dma_start3A_13 : memref<25600xi32, #tpu.memory_space<hbm>>) target(%arg6 : memref<25600xi32, #tpu.memory_space<vmem>>) target_semaphore(%run_scoped3A : memref<!tpu.dma_semaphore, #tpu.memory_space<semaphore_mem>>)
      %dma_wait3A = tpu.memref_slice %arg2[%mul3A_2] : memref<819200xi32, #tpu.memory_space<hbm>> -> memref<25600xi32, #tpu.memory_space<hbm>>
      %dma_wait3A_14 = tpu.memref_slice %arg2[%mul3A_2] : memref<819200xi32, #tpu.memory_space<hbm>> -> memref<25600xi32, #tpu.memory_space<hbm>>
      tpu.wait_dma2 semaphore(%run_scoped3A : memref<!tpu.dma_semaphore, #tpu.memory_space<semaphore_mem>>) src(%dma_wait3A_14 : memref<25600xi32, #tpu.memory_space<hbm>>) dst(%arg6 : memref<25600xi32, #tpu.memory_space<vmem>>)
      tpu.yield
    }) : () -> ()
    "tpu.region"() ({
      %run_scoped3A = tpu.sem_alloc : memref<!tpu.dma_semaphore, #tpu.memory_space<semaphore_mem>>
      tpu.enqueue_dma source(%arg4 : memref<200x64xf32, #tpu.memory_space<hbm>>) target(%arg7 : memref<200x64xf32, #tpu.memory_space<vmem>>) target_semaphore(%run_scoped3A : memref<!tpu.dma_semaphore, #tpu.memory_space<semaphore_mem>>)
      tpu.wait_dma2 semaphore(%run_scoped3A : memref<!tpu.dma_semaphore, #tpu.memory_space<semaphore_mem>>) src(%arg4 : memref<200x64xf32, #tpu.memory_space<hbm>>) dst(%arg7 : memref<200x64xf32, #tpu.memory_space<vmem>>)
      tpu.yield
    }) : () -> ()
    %dma_start3A = arith.constant 0 : i32
    %dma_start3A_3 = tpu.memref_slice %arg6[%dma_start3A] : memref<25600xi32, #tpu.memory_space<vmem>> -> memref<128xi32, #tpu.memory_space<vmem>>
    %dma_start3A_4 = arith.constant 0 : i32
    %dma_start3A_5 = arith.constant 0 : i32
    %dma_start3A_6 = tpu.memref_slice %arg3[%dma_start3A_4, %dma_start3A_5] : memref<1000000x64xf32, #tpu.memory_space<hbm>> -> memref<1000000x64xf32, #tpu.memory_space<hbm>>
    tpu.enqueue_indirect_dma source(%dma_start3A_6 : memref<1000000x64xf32, #tpu.memory_space<hbm>>) target(%arg8 : memref<128x64xf32, #tpu.memory_space<vmem>>) offsets(%dma_start3A_3 : memref<128xi32, #tpu.memory_space<vmem>>) semaphore(%arg10 : memref<!tpu.dma_semaphore, #tpu.memory_space<semaphore_mem>>)
    %scan3A = arith.constant 0 : i32
    %scan3A_7 = arith.constant 0 : i32
    %scan3A_8 = arith.constant 100 : i32
    %scan3A_9 = arith.addi %scan3A_7, %scan3A_8 : i32
    %scan3A_10 = arith.constant 1 : i32
    scf.for %scan3A_12 = %scan3A_7 to %scan3A_9 step %scan3A_10  : i32 {
      %mul3A_13 = arith.constant 2 : i32
      %mul3A_14 = arith.muli %mul3A_13, %scan3A_12 : i32
      %add3A_15 = arith.constant 0 : i32
      %add3A_16 = arith.addi %mul3A_14, %add3A_15 : i32
      %mul3A_17 = arith.constant 128 : i32
      %mul3A_18 = arith.muli %add3A_16, %mul3A_17 : i32
      %dma_wait3A = tpu.memref_slice %arg6[%mul3A_18] : memref<25600xi32, #tpu.memory_space<vmem>> -> memref<128xi32, #tpu.memory_space<vmem>>
      %dma_wait3A_19 = arith.constant 0 : i32
      %dma_wait3A_20 = arith.constant 0 : i32
      %dma_wait3A_21 = tpu.memref_slice %arg3[%dma_wait3A_19, %dma_wait3A_20] : memref<1000000x64xf32, #tpu.memory_space<hbm>> -> memref<1000000x64xf32, #tpu.memory_space<hbm>>
      tpu.wait_indirect_dma semaphore(%arg10 : memref<!tpu.dma_semaphore, #tpu.memory_space<semaphore_mem>>) src(%dma_wait3A_21 : memref<1000000x64xf32, #tpu.memory_space<hbm>>) dst(%arg8 : memref<128x64xf32, #tpu.memory_space<vmem>>)
      %add3A_22 = arith.constant 1 : i32
      %add3A_23 = arith.addi %add3A_16, %add3A_22 : i32
      %lt3A = arith.constant 200 : i32
      %lt3A_24 = arith.cmpi slt, %add3A_23, %lt3A : i32
      %convert_element_type3A = arith.extui %lt3A_24 : i1 to i32
      %cond3A = arith.constant 0 : i32
      %cond3A_25 = arith.cmpi ne, %convert_element_type3A, %cond3A : i32
      scf.if %cond3A_25 {
        %add3A_68 = arith.constant 1 : i32
        %add3A_69 = arith.addi %add3A_16, %add3A_68 : i32
        %mul3A_70 = arith.constant 128 : i32
        %mul3A_71 = arith.muli %add3A_69, %mul3A_70 : i32
        %dma_start3A_72 = tpu.memref_slice %arg6[%mul3A_71] : memref<25600xi32, #tpu.memory_space<vmem>> -> memref<128xi32, #tpu.memory_space<vmem>>
        %dma_start3A_73 = arith.constant 0 : i32
        %dma_start3A_74 = arith.constant 0 : i32
        %dma_start3A_75 = tpu.memref_slice %arg3[%dma_start3A_73, %dma_start3A_74] : memref<1000000x64xf32, #tpu.memory_space<hbm>> -> memref<1000000x64xf32, #tpu.memory_space<hbm>>
        tpu.enqueue_indirect_dma source(%dma_start3A_75 : memref<1000000x64xf32, #tpu.memory_space<hbm>>) target(%arg9 : memref<128x64xf32, #tpu.memory_space<vmem>>) offsets(%dma_start3A_72 : memref<128xi32, #tpu.memory_space<vmem>>) semaphore(%arg11 : memref<!tpu.dma_semaphore, #tpu.memory_space<semaphore_mem>>)
      } else {
      }
      %mul3A_26 = arith.constant 128 : i32
      %mul3A_27 = arith.muli %add3A_16, %mul3A_26 : i32
      %rem3A = arith.constant 200 : i32
      %rem3A_28 = arith.remsi %mul3A_27, %rem3A : i32
      %scan3A_29 = arith.constant 0 : i32
      %scan3A_30 = arith.constant 0 : i32
      %scan3A_31 = arith.constant 128 : i32
      %scan3A_32 = arith.addi %scan3A_30, %scan3A_31 : i32
      %scan3A_33 = arith.constant 4 : i32
      scf.for %scan3A_68 = %scan3A_30 to %scan3A_32 step %scan3A_33  : i32 {
        %add3A_69 = arith.addi %rem3A_28, %scan3A_68 : i32
        %ge3A = arith.constant 200 : i32
        %ge3A_70 = arith.cmpi sge, %add3A_69, %ge3A : i32
        %sub3A = arith.constant 200 : i32
        %sub3A_71 = arith.subi %add3A_69, %sub3A : i32
        %select_n3A = arith.select %ge3A_70, %sub3A_71, %add3A_69 : i32
        %get3A = arith.index_cast %select_n3A : i32 to index
        %get3A_72 = arith.constant 0 : index
        %get3A_73 = tpu.vector_load %arg7[%get3A, %get3A_72] {strides = array<i32>} : memref<200x64xf32, #tpu.memory_space<vmem>>, vector<1x16xf32>,
        %get3A_74 = vector.shape_cast %get3A_73 : vector<1x16xf32> to vector<16xf32>
        %swap3A = arith.index_cast %scan3A_68 : i32 to index
        %swap3A_75 = arith.constant 0 : index
        %swap3A_76 = tpu.vector_load %arg8[%swap3A, %swap3A_75] {strides = array<i32>} : memref<128x64xf32, #tpu.memory_space<vmem>>, vector<1x16xf32>,
        %swap3A_77 = vector.shape_cast %swap3A_76 : vector<1x16xf32> to vector<16xf32>
        %swap3A_78 = vector.shape_cast %get3A_74 : vector<16xf32> to vector<1x16xf32>
        tpu.vector_store %arg8[%swap3A, %swap3A_75], %swap3A_78 {add = true, strides = array<i32>} : memref<128x64xf32, #tpu.memory_space<vmem>>, vector<1x16xf32>,
        %get3A_79 = arith.index_cast %select_n3A : i32 to index
        %get3A_80 = arith.constant 16 : index
        %get3A_81 = tpu.vector_load %arg7[%get3A_79, %get3A_80] {strides = array<i32>} : memref<200x64xf32, #tpu.memory_space<vmem>>, vector<1x16xf32>,
        %get3A_82 = vector.shape_cast %get3A_81 : vector<1x16xf32> to vector<16xf32>
        %swap3A_83 = arith.index_cast %scan3A_68 : i32 to index
        %swap3A_84 = arith.constant 16 : index
        %swap3A_85 = tpu.vector_load %arg8[%swap3A_83, %swap3A_84] {strides = array<i32>} : memref<128x64xf32, #tpu.memory_space<vmem>>, vector<1x16xf32>,
        %swap3A_86 = vector.shape_cast %swap3A_85 : vector<1x16xf32> to vector<16xf32>
        %swap3A_87 = vector.shape_cast %get3A_82 : vector<16xf32> to vector<1x16xf32>
        tpu.vector_store %arg8[%swap3A_83, %swap3A_84], %swap3A_87 {add = true, strides = array<i32>} : memref<128x64xf32, #tpu.memory_space<vmem>>, vector<1x16xf32>,
        %get3A_88 = arith.index_cast %select_n3A : i32 to index
        %get3A_89 = arith.constant 32 : index
        %get3A_90 = tpu.vector_load %arg7[%get3A_88, %get3A_89] {strides = array<i32>} : memref<200x64xf32, #tpu.memory_space<vmem>>, vector<1x16xf32>,
        %get3A_91 = vector.shape_cast %get3A_90 : vector<1x16xf32> to vector<16xf32>
        %swap3A_92 = arith.index_cast %scan3A_68 : i32 to index
        %swap3A_93 = arith.constant 32 : index
        %swap3A_94 = tpu.vector_load %arg8[%swap3A_92, %swap3A_93] {strides = array<i32>} : memref<128x64xf32, #tpu.memory_space<vmem>>, vector<1x16xf32>,
        %swap3A_95 = vector.shape_cast %swap3A_94 : vector<1x16xf32> to vector<16xf32>
        %swap3A_96 = vector.shape_cast %get3A_91 : vector<16xf32> to vector<1x16xf32>
        tpu.vector_store %arg8[%swap3A_92, %swap3A_93], %swap3A_96 {add = true, strides = array<i32>} : memref<128x64xf32, #tpu.memory_space<vmem>>, vector<1x16xf32>,
        %get3A_97 = arith.index_cast %select_n3A : i32 to index
        %get3A_98 = arith.constant 48 : index
        %get3A_99 = tpu.vector_load %arg7[%get3A_97, %get3A_98] {strides = array<i32>} : memref<200x64xf32, #tpu.memory_space<vmem>>, vector<1x16xf32>,
        %get3A_100 = vector.shape_cast %get3A_99 : vector<1x16xf32> to vector<16xf32>
        %swap3A_101 = arith.index_cast %scan3A_68 : i32 to index
        %swap3A_102 = arith.constant 48 : index
        %swap3A_103 = tpu.vector_load %arg8[%swap3A_101, %swap3A_102] {strides = array<i32>} : memref<128x64xf32, #tpu.memory_space<vmem>>, vector<1x16xf32>,
        %swap3A_104 = vector.shape_cast %swap3A_103 : vector<1x16xf32> to vector<16xf32>
        %swap3A_105 = vector.shape_cast %get3A_100 : vector<16xf32> to vector<1x16xf32>
        tpu.vector_store %arg8[%swap3A_101, %swap3A_102], %swap3A_105 {add = true, strides = array<i32>} : memref<128x64xf32, #tpu.memory_space<vmem>>, vector<1x16xf32>,
        %scan3A_106 = arith.constant 1 : i32
        %scan3A_107 = arith.addi %scan3A_68, %scan3A_106 : i32
        %add3A_108 = arith.addi %rem3A_28, %scan3A_107 : i32
        %ge3A_109 = arith.constant 200 : i32
        %ge3A_110 = arith.cmpi sge, %add3A_108, %ge3A_109 : i32
        %sub3A_111 = arith.constant 200 : i32
        %sub3A_112 = arith.subi %add3A_108, %sub3A_111 : i32
        %select_n3A_113 = arith.select %ge3A_110, %sub3A_112, %add3A_108 : i32
        %get3A_114 = arith.index_cast %select_n3A_113 : i32 to index
        %get3A_115 = arith.constant 0 : index
        %get3A_116 = tpu.vector_load %arg7[%get3A_114, %get3A_115] {strides = array<i32>} : memref<200x64xf32, #tpu.memory_space<vmem>>, vector<1x16xf32>,
        %get3A_117 = vector.shape_cast %get3A_116 : vector<1x16xf32> to vector<16xf32>
        %swap3A_118 = arith.index_cast %scan3A_107 : i32 to index
        %swap3A_119 = arith.constant 0 : index
        %swap3A_120 = tpu.vector_load %arg8[%swap3A_118, %swap3A_119] {strides = array<i32>} : memref<128x64xf32, #tpu.memory_space<vmem>>, vector<1x16xf32>,
        %swap3A_121 = vector.shape_cast %swap3A_120 : vector<1x16xf32> to vector<16xf32>
        %swap3A_122 = vector.shape_cast %get3A_117 : vector<16xf32> to vector<1x16xf32>
        tpu.vector_store %arg8[%swap3A_118, %swap3A_119], %swap3A_122 {add = true, strides = array<i32>} : memref<128x64xf32, #tpu.memory_space<vmem>>, vector<1x16xf32>,
        %get3A_123 = arith.index_cast %select_n3A_113 : i32 to index
        %get3A_124 = arith.constant 16 : index
        %get3A_125 = tpu.vector_load %arg7[%get3A_123, %get3A_124] {strides = array<i32>} : memref<200x64xf32, #tpu.memory_space<vmem>>, vector<1x16xf32>,
        %get3A_126 = vector.shape_cast %get3A_125 : vector<1x16xf32> to vector<16xf32>
        %swap3A_127 = arith.index_cast %scan3A_107 : i32 to index
        %swap3A_128 = arith.constant 16 : index
        %swap3A_129 = tpu.vector_load %arg8[%swap3A_127, %swap3A_128] {strides = array<i32>} : memref<128x64xf32, #tpu.memory_space<vmem>>, vector<1x16xf32>,
        %swap3A_130 = vector.shape_cast %swap3A_129 : vector<1x16xf32> to vector<16xf32>
        %swap3A_131 = vector.shape_cast %get3A_126 : vector<16xf32> to vector<1x16xf32>
        tpu.vector_store %arg8[%swap3A_127, %swap3A_128], %swap3A_131 {add = true, strides = array<i32>} : memref<128x64xf32, #tpu.memory_space<vmem>>, vector<1x16xf32>,
        %get3A_132 = arith.index_cast %select_n3A_113 : i32 to index
        %get3A_133 = arith.constant 32 : index
        %get3A_134 = tpu.vector_load %arg7[%get3A_132, %get3A_133] {strides = array<i32>} : memref<200x64xf32, #tpu.memory_space<vmem>>, vector<1x16xf32>,
        %get3A_135 = vector.shape_cast %get3A_134 : vector<1x16xf32> to vector<16xf32>
        %swap3A_136 = arith.index_cast %scan3A_107 : i32 to index
        %swap3A_137 = arith.constant 32 : index
        %swap3A_138 = tpu.vector_load %arg8[%swap3A_136, %swap3A_137] {strides = array<i32>} : memref<128x64xf32, #tpu.memory_space<vmem>>, vector<1x16xf32>,
        %swap3A_139 = vector.shape_cast %swap3A_138 : vector<1x16xf32> to vector<16xf32>
        %swap3A_140 = vector.shape_cast %get3A_135 : vector<16xf32> to vector<1x16xf32>
        tpu.vector_store %arg8[%swap3A_136, %swap3A_137], %swap3A_140 {add = true, strides = array<i32>} : memref<128x64xf32, #tpu.memory_space<vmem>>, vector<1x16xf32>,
        %get3A_141 = arith.index_cast %select_n3A_113 : i32 to index
        %get3A_142 = arith.constant 48 : index
        %get3A_143 = tpu.vector_load %arg7[%get3A_141, %get3A_142] {strides = array<i32>} : memref<200x64xf32, #tpu.memory_space<vmem>>, vector<1x16xf32>,
        %get3A_144 = vector.shape_cast %get3A_143 : vector<1x16xf32> to vector<16xf32>
        %swap3A_145 = arith.index_cast %scan3A_107 : i32 to index
        %swap3A_146 = arith.constant 48 : index
        %swap3A_147 = tpu.vector_load %arg8[%swap3A_145, %swap3A_146] {strides = array<i32>} : memref<128x64xf32, #tpu.memory_space<vmem>>, vector<1x16xf32>,
        %swap3A_148 = vector.shape_cast %swap3A_147 : vector<1x16xf32> to vector<16xf32>
        %swap3A_149 = vector.shape_cast %get3A_144 : vector<16xf32> to vector<1x16xf32>
        tpu.vector_store %arg8[%swap3A_145, %swap3A_146], %swap3A_149 {add = true, strides = array<i32>} : memref<128x64xf32, #tpu.memory_space<vmem>>, vector<1x16xf32>,
        %scan3A_150 = arith.constant 2 : i32
        %scan3A_151 = arith.addi %scan3A_68, %scan3A_150 : i32
        %add3A_152 = arith.addi %rem3A_28, %scan3A_151 : i32
        %ge3A_153 = arith.constant 200 : i32
        %ge3A_154 = arith.cmpi sge, %add3A_152, %ge3A_153 : i32
        %sub3A_155 = arith.constant 200 : i32
        %sub3A_156 = arith.subi %add3A_152, %sub3A_155 : i32
        %select_n3A_157 = arith.select %ge3A_154, %sub3A_156, %add3A_152 : i32
        %get3A_158 = arith.index_cast %select_n3A_157 : i32 to index
        %get3A_159 = arith.constant 0 : index
        %get3A_160 = tpu.vector_load %arg7[%get3A_158, %get3A_159] {strides = array<i32>} : memref<200x64xf32, #tpu.memory_space<vmem>>, vector<1x16xf32>,
        %get3A_161 = vector.shape_cast %get3A_160 : vector<1x16xf32> to vector<16xf32>
        %swap3A_162 = arith.index_cast %scan3A_151 : i32 to index
        %swap3A_163 = arith.constant 0 : index
        %swap3A_164 = tpu.vector_load %arg8[%swap3A_162, %swap3A_163] {strides = array<i32>} : memref<128x64xf32, #tpu.memory_space<vmem>>, vector<1x16xf32>,
        %swap3A_165 = vector.shape_cast %swap3A_164 : vector<1x16xf32> to vector<16xf32>
        %swap3A_166 = vector.shape_cast %get3A_161 : vector<16xf32> to vector<1x16xf32>
        tpu.vector_store %arg8[%swap3A_162, %swap3A_163], %swap3A_166 {add = true, strides = array<i32>} : memref<128x64xf32, #tpu.memory_space<vmem>>, vector<1x16xf32>,
        %get3A_167 = arith.index_cast %select_n3A_157 : i32 to index
        %get3A_168 = arith.constant 16 : index
        %get3A_169 = tpu.vector_load %arg7[%get3A_167, %get3A_168] {strides = array<i32>} : memref<200x64xf32, #tpu.memory_space<vmem>>, vector<1x16xf32>,
        %get3A_170 = vector.shape_cast %get3A_169 : vector<1x16xf32> to vector<16xf32>
        %swap3A_171 = arith.index_cast %scan3A_151 : i32 to index
        %swap3A_172 = arith.constant 16 : index
        %swap3A_173 = tpu.vector_load %arg8[%swap3A_171, %swap3A_172] {strides = array<i32>} : memref<128x64xf32, #tpu.memory_space<vmem>>, vector<1x16xf32>,
        %swap3A_174 = vector.shape_cast %swap3A_173 : vector<1x16xf32> to vector<16xf32>
        %swap3A_175 = vector.shape_cast %get3A_170 : vector<16xf32> to vector<1x16xf32>
        tpu.vector_store %arg8[%swap3A_171, %swap3A_172], %swap3A_175 {add = true, strides = array<i32>} : memref<128x64xf32, #tpu.memory_space<vmem>>, vector<1x16xf32>,
        %get3A_176 = arith.index_cast %select_n3A_157 : i32 to index
        %get3A_177 = arith.constant 32 : index
        %get3A_178 = tpu.vector_load %arg7[%get3A_176, %get3A_177] {strides = array<i32>} : memref<200x64xf32, #tpu.memory_space<vmem>>, vector<1x16xf32>,
        %get3A_179 = vector.shape_cast %get3A_178 : vector<1x16xf32> to vector<16xf32>
        %swap3A_180 = arith.index_cast %scan3A_151 : i32 to index
        %swap3A_181 = arith.constant 32 : index
        %swap3A_182 = tpu.vector_load %arg8[%swap3A_180, %swap3A_181] {strides = array<i32>} : memref<128x64xf32, #tpu.memory_space<vmem>>, vector<1x16xf32>,
        %swap3A_183 = vector.shape_cast %swap3A_182 : vector<1x16xf32> to vector<16xf32>
        %swap3A_184 = vector.shape_cast %get3A_179 : vector<16xf32> to vector<1x16xf32>
        tpu.vector_store %arg8[%swap3A_180, %swap3A_181], %swap3A_184 {add = true, strides = array<i32>} : memref<128x64xf32, #tpu.memory_space<vmem>>, vector<1x16xf32>,
        %get3A_185 = arith.index_cast %select_n3A_157 : i32 to index
        %get3A_186 = arith.constant 48 : index
        %get3A_187 = tpu.vector_load %arg7[%get3A_185, %get3A_186] {strides = array<i32>} : memref<200x64xf32, #tpu.memory_space<vmem>>, vector<1x16xf32>,
        %get3A_188 = vector.shape_cast %get3A_187 : vector<1x16xf32> to vector<16xf32>
        %swap3A_189 = arith.index_cast %scan3A_151 : i32 to index
        %swap3A_190 = arith.constant 48 : index
        %swap3A_191 = tpu.vector_load %arg8[%swap3A_189, %swap3A_190] {strides = array<i32>} : memref<128x64xf32, #tpu.memory_space<vmem>>, vector<1x16xf32>,
        %swap3A_192 = vector.shape_cast %swap3A_191 : vector<1x16xf32> to vector<16xf32>
        %swap3A_193 = vector.shape_cast %get3A_188 : vector<16xf32> to vector<1x16xf32>
        tpu.vector_store %arg8[%swap3A_189, %swap3A_190], %swap3A_193 {add = true, strides = array<i32>} : memref<128x64xf32, #tpu.memory_space<vmem>>, vector<1x16xf32>,
        %scan3A_194 = arith.constant 3 : i32
        %scan3A_195 = arith.addi %scan3A_68, %scan3A_194 : i32
        %add3A_196 = arith.addi %rem3A_28, %scan3A_195 : i32
        %ge3A_197 = arith.constant 200 : i32
        %ge3A_198 = arith.cmpi sge, %add3A_196, %ge3A_197 : i32
        %sub3A_199 = arith.constant 200 : i32
        %sub3A_200 = arith.subi %add3A_196, %sub3A_199 : i32
        %select_n3A_201 = arith.select %ge3A_198, %sub3A_200, %add3A_196 : i32
        %get3A_202 = arith.index_cast %select_n3A_201 : i32 to index
        %get3A_203 = arith.constant 0 : index
        %get3A_204 = tpu.vector_load %arg7[%get3A_202, %get3A_203] {strides = array<i32>} : memref<200x64xf32, #tpu.memory_space<vmem>>, vector<1x16xf32>,
        %get3A_205 = vector.shape_cast %get3A_204 : vector<1x16xf32> to vector<16xf32>
        %swap3A_206 = arith.index_cast %scan3A_195 : i32 to index
        %swap3A_207 = arith.constant 0 : index
        %swap3A_208 = tpu.vector_load %arg8[%swap3A_206, %swap3A_207] {strides = array<i32>} : memref<128x64xf32, #tpu.memory_space<vmem>>, vector<1x16xf32>,
        %swap3A_209 = vector.shape_cast %swap3A_208 : vector<1x16xf32> to vector<16xf32>
        %swap3A_210 = vector.shape_cast %get3A_205 : vector<16xf32> to vector<1x16xf32>
        tpu.vector_store %arg8[%swap3A_206, %swap3A_207], %swap3A_210 {add = true, strides = array<i32>} : memref<128x64xf32, #tpu.memory_space<vmem>>, vector<1x16xf32>,
        %get3A_211 = arith.index_cast %select_n3A_201 : i32 to index
        %get3A_212 = arith.constant 16 : index
        %get3A_213 = tpu.vector_load %arg7[%get3A_211, %get3A_212] {strides = array<i32>} : memref<200x64xf32, #tpu.memory_space<vmem>>, vector<1x16xf32>,
        %get3A_214 = vector.shape_cast %get3A_213 : vector<1x16xf32> to vector<16xf32>
        %swap3A_215 = arith.index_cast %scan3A_195 : i32 to index
        %swap3A_216 = arith.constant 16 : index
        %swap3A_217 = tpu.vector_load %arg8[%swap3A_215, %swap3A_216] {strides = array<i32>} : memref<128x64xf32, #tpu.memory_space<vmem>>, vector<1x16xf32>,
        %swap3A_218 = vector.shape_cast %swap3A_217 : vector<1x16xf32> to vector<16xf32>
        %swap3A_219 = vector.shape_cast %get3A_214 : vector<16xf32> to vector<1x16xf32>
        tpu.vector_store %arg8[%swap3A_215, %swap3A_216], %swap3A_219 {add = true, strides = array<i32>} : memref<128x64xf32, #tpu.memory_space<vmem>>, vector<1x16xf32>,
        %get3A_220 = arith.index_cast %select_n3A_201 : i32 to index
        %get3A_221 = arith.constant 32 : index
        %get3A_222 = tpu.vector_load %arg7[%get3A_220, %get3A_221] {strides = array<i32>} : memref<200x64xf32, #tpu.memory_space<vmem>>, vector<1x16xf32>,
        %get3A_223 = vector.shape_cast %get3A_222 : vector<1x16xf32> to vector<16xf32>
        %swap3A_224 = arith.index_cast %scan3A_195 : i32 to index
        %swap3A_225 = arith.constant 32 : index
        %swap3A_226 = tpu.vector_load %arg8[%swap3A_224, %swap3A_225] {strides = array<i32>} : memref<128x64xf32, #tpu.memory_space<vmem>>, vector<1x16xf32>,
        %swap3A_227 = vector.shape_cast %swap3A_226 : vector<1x16xf32> to vector<16xf32>
        %swap3A_228 = vector.shape_cast %get3A_223 : vector<16xf32> to vector<1x16xf32>
        tpu.vector_store %arg8[%swap3A_224, %swap3A_225], %swap3A_228 {add = true, strides = array<i32>} : memref<128x64xf32, #tpu.memory_space<vmem>>, vector<1x16xf32>,
        %get3A_229 = arith.index_cast %select_n3A_201 : i32 to index
        %get3A_230 = arith.constant 48 : index
        %get3A_231 = tpu.vector_load %arg7[%get3A_229, %get3A_230] {strides = array<i32>} : memref<200x64xf32, #tpu.memory_space<vmem>>, vector<1x16xf32>,
        %get3A_232 = vector.shape_cast %get3A_231 : vector<1x16xf32> to vector<16xf32>
        %swap3A_233 = arith.index_cast %scan3A_195 : i32 to index
        %swap3A_234 = arith.constant 48 : index
        %swap3A_235 = tpu.vector_load %arg8[%swap3A_233, %swap3A_234] {strides = array<i32>} : memref<128x64xf32, #tpu.memory_space<vmem>>, vector<1x16xf32>,
        %swap3A_236 = vector.shape_cast %swap3A_235 : vector<1x16xf32> to vector<16xf32>
        %swap3A_237 = vector.shape_cast %get3A_232 : vector<16xf32> to vector<1x16xf32>
        tpu.vector_store %arg8[%swap3A_233, %swap3A_234], %swap3A_237 {add = true, strides = array<i32>} : memref<128x64xf32, #tpu.memory_space<vmem>>, vector<1x16xf32>,
      }
      %scan3A_34 = arith.constant 128 : i32
      %mul3A_35 = arith.constant 128 : i32
      %mul3A_36 = arith.muli %add3A_16, %mul3A_35 : i32
      %add3A_37 = arith.addi %mul3A_2, %mul3A_36 : i32
      "tpu.region"() ({
        %run_scoped3A = tpu.sem_alloc : memref<!tpu.dma_semaphore, #tpu.memory_space<semaphore_mem>>
        %dma_start3A_68 = arith.constant 0 : i32
        %dma_start3A_69 = tpu.memref_slice %arg5[%add3A_37, %dma_start3A_68] : memref<819200x64xf32, #tpu.memory_space<hbm>> -> memref<128x64xf32, #tpu.memory_space<hbm>>
        %dma_start3A_70 = arith.constant 0 : i32
        %dma_start3A_71 = tpu.memref_slice %arg5[%add3A_37, %dma_start3A_70] : memref<819200x64xf32, #tpu.memory_space<hbm>> -> memref<128x64xf32, #tpu.memory_space<hbm>>
        tpu.enqueue_dma source(%arg8 : memref<128x64xf32, #tpu.memory_space<vmem>>) target(%dma_start3A_71 : memref<128x64xf32, #tpu.memory_space<hbm>>) target_semaphore(%run_scoped3A : memref<!tpu.dma_semaphore, #tpu.memory_space<semaphore_mem>>)
        %dma_wait3A_72 = arith.constant 0 : i32
        %dma_wait3A_73 = tpu.memref_slice %arg5[%add3A_37, %dma_wait3A_72] : memref<819200x64xf32, #tpu.memory_space<hbm>> -> memref<128x64xf32, #tpu.memory_space<hbm>>
        %dma_wait3A_74 = arith.constant 0 : i32
        %dma_wait3A_75 = tpu.memref_slice %arg5[%add3A_37, %dma_wait3A_74] : memref<819200x64xf32, #tpu.memory_space<hbm>> -> memref<128x64xf32, #tpu.memory_space<hbm>>
        tpu.wait_dma2 semaphore(%run_scoped3A : memref<!tpu.dma_semaphore, #tpu.memory_space<semaphore_mem>>) src(%arg8 : memref<128x64xf32, #tpu.memory_space<vmem>>) dst(%dma_wait3A_75 : memref<128x64xf32, #tpu.memory_space<hbm>>)
        tpu.yield
      }) : () -> ()
      %mul3A_38 = arith.constant 2 : i32
      %mul3A_39 = arith.muli %mul3A_38, %scan3A_12 : i32
      %add3A_40 = arith.constant 1 : i32
      %add3A_41 = arith.addi %mul3A_39, %add3A_40 : i32
      %mul3A_42 = arith.constant 128 : i32
      %mul3A_43 = arith.muli %add3A_41, %mul3A_42 : i32
      %dma_wait3A_44 = tpu.memref_slice %arg6[%mul3A_43] : memref<25600xi32, #tpu.memory_space<vmem>> -> memref<128xi32, #tpu.memory_space<vmem>>
      %dma_wait3A_45 = arith.constant 0 : i32
      %dma_wait3A_46 = arith.constant 0 : i32
      %dma_wait3A_47 = tpu.memref_slice %arg3[%dma_wait3A_45, %dma_wait3A_46] : memref<1000000x64xf32, #tpu.memory_space<hbm>> -> memref<1000000x64xf32, #tpu.memory_space<hbm>>
      tpu.wait_indirect_dma semaphore(%arg11 : memref<!tpu.dma_semaphore, #tpu.memory_space<semaphore_mem>>) src(%dma_wait3A_47 : memref<1000000x64xf32, #tpu.memory_space<hbm>>) dst(%arg9 : memref<128x64xf32, #tpu.memory_space<vmem>>)
      %add3A_48 = arith.constant 1 : i32
      %add3A_49 = arith.addi %add3A_41, %add3A_48 : i32
      %lt3A_50 = arith.constant 200 : i32
      %lt3A_51 = arith.cmpi slt, %add3A_49, %lt3A_50 : i32
      %convert_element_type3A_52 = arith.extui %lt3A_51 : i1 to i32
      %cond3A_53 = arith.constant 0 : i32
      %cond3A_54 = arith.cmpi ne, %convert_element_type3A_52, %cond3A_53 : i32
      scf.if %cond3A_54 {
        %add3A_68 = arith.constant 1 : i32
        %add3A_69 = arith.addi %add3A_41, %add3A_68 : i32
        %mul3A_70 = arith.constant 128 : i32
        %mul3A_71 = arith.muli %add3A_69, %mul3A_70 : i32
        %dma_start3A_72 = tpu.memref_slice %arg6[%mul3A_71] : memref<25600xi32, #tpu.memory_space<vmem>> -> memref<128xi32, #tpu.memory_space<vmem>>
        %dma_start3A_73 = arith.constant 0 : i32
        %dma_start3A_74 = arith.constant 0 : i32
        %dma_start3A_75 = tpu.memref_slice %arg3[%dma_start3A_73, %dma_start3A_74] : memref<1000000x64xf32, #tpu.memory_space<hbm>> -> memref<1000000x64xf32, #tpu.memory_space<hbm>>
        tpu.enqueue_indirect_dma source(%dma_start3A_75 : memref<1000000x64xf32, #tpu.memory_space<hbm>>) target(%arg8 : memref<128x64xf32, #tpu.memory_space<vmem>>) offsets(%dma_start3A_72 : memref<128xi32, #tpu.memory_space<vmem>>) semaphore(%arg10 : memref<!tpu.dma_semaphore, #tpu.memory_space<semaphore_mem>>)
      } else {
      }
      %mul3A_55 = arith.constant 128 : i32
      %mul3A_56 = arith.muli %add3A_41, %mul3A_55 : i32
      %rem3A_57 = arith.constant 200 : i32
      %rem3A_58 = arith.remsi %mul3A_56, %rem3A_57 : i32
      %scan3A_59 = arith.constant 0 : i32
      %scan3A_60 = arith.constant 0 : i32
      %scan3A_61 = arith.constant 128 : i32
      %scan3A_62 = arith.addi %scan3A_60, %scan3A_61 : i32
      %scan3A_63 = arith.constant 4 : i32
      scf.for %scan3A_68 = %scan3A_60 to %scan3A_62 step %scan3A_63  : i32 {
        %add3A_69 = arith.addi %rem3A_58, %scan3A_68 : i32
        %ge3A = arith.constant 200 : i32
        %ge3A_70 = arith.cmpi sge, %add3A_69, %ge3A : i32
        %sub3A = arith.constant 200 : i32
        %sub3A_71 = arith.subi %add3A_69, %sub3A : i32
        %select_n3A = arith.select %ge3A_70, %sub3A_71, %add3A_69 : i32
        %get3A = arith.index_cast %select_n3A : i32 to index
        %get3A_72 = arith.constant 0 : index
        %get3A_73 = tpu.vector_load %arg7[%get3A, %get3A_72] {strides = array<i32>} : memref<200x64xf32, #tpu.memory_space<vmem>>, vector<1x16xf32>,
        %get3A_74 = vector.shape_cast %get3A_73 : vector<1x16xf32> to vector<16xf32>
        %swap3A = arith.index_cast %scan3A_68 : i32 to index
        %swap3A_75 = arith.constant 0 : index
        %swap3A_76 = tpu.vector_load %arg9[%swap3A, %swap3A_75] {strides = array<i32>} : memref<128x64xf32, #tpu.memory_space<vmem>>, vector<1x16xf32>,
        %swap3A_77 = vector.shape_cast %swap3A_76 : vector<1x16xf32> to vector<16xf32>
        %swap3A_78 = vector.shape_cast %get3A_74 : vector<16xf32> to vector<1x16xf32>
        tpu.vector_store %arg9[%swap3A, %swap3A_75], %swap3A_78 {add = true, strides = array<i32>} : memref<128x64xf32, #tpu.memory_space<vmem>>, vector<1x16xf32>,
        %get3A_79 = arith.index_cast %select_n3A : i32 to index
        %get3A_80 = arith.constant 16 : index
        %get3A_81 = tpu.vector_load %arg7[%get3A_79, %get3A_80] {strides = array<i32>} : memref<200x64xf32, #tpu.memory_space<vmem>>, vector<1x16xf32>,
        %get3A_82 = vector.shape_cast %get3A_81 : vector<1x16xf32> to vector<16xf32>
        %swap3A_83 = arith.index_cast %scan3A_68 : i32 to index
        %swap3A_84 = arith.constant 16 : index
        %swap3A_85 = tpu.vector_load %arg9[%swap3A_83, %swap3A_84] {strides = array<i32>} : memref<128x64xf32, #tpu.memory_space<vmem>>, vector<1x16xf32>,
        %swap3A_86 = vector.shape_cast %swap3A_85 : vector<1x16xf32> to vector<16xf32>
        %swap3A_87 = vector.shape_cast %get3A_82 : vector<16xf32> to vector<1x16xf32>
        tpu.vector_store %arg9[%swap3A_83, %swap3A_84], %swap3A_87 {add = true, strides = array<i32>} : memref<128x64xf32, #tpu.memory_space<vmem>>, vector<1x16xf32>,
        %get3A_88 = arith.index_cast %select_n3A : i32 to index
        %get3A_89 = arith.constant 32 : index
        %get3A_90 = tpu.vector_load %arg7[%get3A_88, %get3A_89] {strides = array<i32>} : memref<200x64xf32, #tpu.memory_space<vmem>>, vector<1x16xf32>,
        %get3A_91 = vector.shape_cast %get3A_90 : vector<1x16xf32> to vector<16xf32>
        %swap3A_92 = arith.index_cast %scan3A_68 : i32 to index
        %swap3A_93 = arith.constant 32 : index
        %swap3A_94 = tpu.vector_load %arg9[%swap3A_92, %swap3A_93] {strides = array<i32>} : memref<128x64xf32, #tpu.memory_space<vmem>>, vector<1x16xf32>,
        %swap3A_95 = vector.shape_cast %swap3A_94 : vector<1x16xf32> to vector<16xf32>
        %swap3A_96 = vector.shape_cast %get3A_91 : vector<16xf32> to vector<1x16xf32>
        tpu.vector_store %arg9[%swap3A_92, %swap3A_93], %swap3A_96 {add = true, strides = array<i32>} : memref<128x64xf32, #tpu.memory_space<vmem>>, vector<1x16xf32>,
        %get3A_97 = arith.index_cast %select_n3A : i32 to index
        %get3A_98 = arith.constant 48 : index
        %get3A_99 = tpu.vector_load %arg7[%get3A_97, %get3A_98] {strides = array<i32>} : memref<200x64xf32, #tpu.memory_space<vmem>>, vector<1x16xf32>,
        %get3A_100 = vector.shape_cast %get3A_99 : vector<1x16xf32> to vector<16xf32>
        %swap3A_101 = arith.index_cast %scan3A_68 : i32 to index
        %swap3A_102 = arith.constant 48 : index
        %swap3A_103 = tpu.vector_load %arg9[%swap3A_101, %swap3A_102] {strides = array<i32>} : memref<128x64xf32, #tpu.memory_space<vmem>>, vector<1x16xf32>,
        %swap3A_104 = vector.shape_cast %swap3A_103 : vector<1x16xf32> to vector<16xf32>
        %swap3A_105 = vector.shape_cast %get3A_100 : vector<16xf32> to vector<1x16xf32>
        tpu.vector_store %arg9[%swap3A_101, %swap3A_102], %swap3A_105 {add = true, strides = array<i32>} : memref<128x64xf32, #tpu.memory_space<vmem>>, vector<1x16xf32>,
        %scan3A_106 = arith.constant 1 : i32
        %scan3A_107 = arith.addi %scan3A_68, %scan3A_106 : i32
        %add3A_108 = arith.addi %rem3A_58, %scan3A_107 : i32
        %ge3A_109 = arith.constant 200 : i32
        %ge3A_110 = arith.cmpi sge, %add3A_108, %ge3A_109 : i32
        %sub3A_111 = arith.constant 200 : i32
        %sub3A_112 = arith.subi %add3A_108, %sub3A_111 : i32
        %select_n3A_113 = arith.select %ge3A_110, %sub3A_112, %add3A_108 : i32
        %get3A_114 = arith.index_cast %select_n3A_113 : i32 to index
        %get3A_115 = arith.constant 0 : index
        %get3A_116 = tpu.vector_load %arg7[%get3A_114, %get3A_115] {strides = array<i32>} : memref<200x64xf32, #tpu.memory_space<vmem>>, vector<1x16xf32>,
        %get3A_117 = vector.shape_cast %get3A_116 : vector<1x16xf32> to vector<16xf32>
        %swap3A_118 = arith.index_cast %scan3A_107 : i32 to index
        %swap3A_119 = arith.constant 0 : index
        %swap3A_120 = tpu.vector_load %arg9[%swap3A_118, %swap3A_119] {strides = array<i32>} : memref<128x64xf32, #tpu.memory_space<vmem>>, vector<1x16xf32>,
        %swap3A_121 = vector.shape_cast %swap3A_120 : vector<1x16xf32> to vector<16xf32>
        %swap3A_122 = vector.shape_cast %get3A_117 : vector<16xf32> to vector<1x16xf32>
        tpu.vector_store %arg9[%swap3A_118, %swap3A_119], %swap3A_122 {add = true, strides = array<i32>} : memref<128x64xf32, #tpu.memory_space<vmem>>, vector<1x16xf32>,
        %get3A_123 = arith.index_cast %select_n3A_113 : i32 to index
        %get3A_124 = arith.constant 16 : index
        %get3A_125 = tpu.vector_load %arg7[%get3A_123, %get3A_124] {strides = array<i32>} : memref<200x64xf32, #tpu.memory_space<vmem>>, vector<1x16xf32>,
        %get3A_126 = vector.shape_cast %get3A_125 : vector<1x16xf32> to vector<16xf32>
        %swap3A_127 = arith.index_cast %scan3A_107 : i32 to index
        %swap3A_128 = arith.constant 16 : index
        %swap3A_129 = tpu.vector_load %arg9[%swap3A_127, %swap3A_128] {strides = array<i32>} : memref<128x64xf32, #tpu.memory_space<vmem>>, vector<1x16xf32>,
        %swap3A_130 = vector.shape_cast %swap3A_129 : vector<1x16xf32> to vector<16xf32>
        %swap3A_131 = vector.shape_cast %get3A_126 : vector<16xf32> to vector<1x16xf32>
        tpu.vector_store %arg9[%swap3A_127, %swap3A_128], %swap3A_131 {add = true, strides = array<i32>} : memref<128x64xf32, #tpu.memory_space<vmem>>, vector<1x16xf32>,
        %get3A_132 = arith.index_cast %select_n3A_113 : i32 to index
        %get3A_133 = arith.constant 32 : index
        %get3A_134 = tpu.vector_load %arg7[%get3A_132, %get3A_133] {strides = array<i32>} : memref<200x64xf32, #tpu.memory_space<vmem>>, vector<1x16xf32>,
        %get3A_135 = vector.shape_cast %get3A_134 : vector<1x16xf32> to vector<16xf32>
        %swap3A_136 = arith.index_cast %scan3A_107 : i32 to index
        %swap3A_137 = arith.constant 32 : index
        %swap3A_138 = tpu.vector_load %arg9[%swap3A_136, %swap3A_137] {strides = array<i32>} : memref<128x64xf32, #tpu.memory_space<vmem>>, vector<1x16xf32>,
        %swap3A_139 = vector.shape_cast %swap3A_138 : vector<1x16xf32> to vector<16xf32>
        %swap3A_140 = vector.shape_cast %get3A_135 : vector<16xf32> to vector<1x16xf32>
        tpu.vector_store %arg9[%swap3A_136, %swap3A_137], %swap3A_140 {add = true, strides = array<i32>} : memref<128x64xf32, #tpu.memory_space<vmem>>, vector<1x16xf32>,
        %get3A_141 = arith.index_cast %select_n3A_113 : i32 to index
        %get3A_142 = arith.constant 48 : index
        %get3A_143 = tpu.vector_load %arg7[%get3A_141, %get3A_142] {strides = array<i32>} : memref<200x64xf32, #tpu.memory_space<vmem>>, vector<1x16xf32>,
        %get3A_144 = vector.shape_cast %get3A_143 : vector<1x16xf32> to vector<16xf32>
        %swap3A_145 = arith.index_cast %scan3A_107 : i32 to index
        %swap3A_146 = arith.constant 48 : index
        %swap3A_147 = tpu.vector_load %arg9[%swap3A_145, %swap3A_146] {strides = array<i32>} : memref<128x64xf32, #tpu.memory_space<vmem>>, vector<1x16xf32>,
        %swap3A_148 = vector.shape_cast %swap3A_147 : vector<1x16xf32> to vector<16xf32>
        %swap3A_149 = vector.shape_cast %get3A_144 : vector<16xf32> to vector<1x16xf32>
        tpu.vector_store %arg9[%swap3A_145, %swap3A_146], %swap3A_149 {add = true, strides = array<i32>} : memref<128x64xf32, #tpu.memory_space<vmem>>, vector<1x16xf32>,
        %scan3A_150 = arith.constant 2 : i32
        %scan3A_151 = arith.addi %scan3A_68, %scan3A_150 : i32
        %add3A_152 = arith.addi %rem3A_58, %scan3A_151 : i32
        %ge3A_153 = arith.constant 200 : i32
        %ge3A_154 = arith.cmpi sge, %add3A_152, %ge3A_153 : i32
        %sub3A_155 = arith.constant 200 : i32
        %sub3A_156 = arith.subi %add3A_152, %sub3A_155 : i32
        %select_n3A_157 = arith.select %ge3A_154, %sub3A_156, %add3A_152 : i32
        %get3A_158 = arith.index_cast %select_n3A_157 : i32 to index
        %get3A_159 = arith.constant 0 : index
        %get3A_160 = tpu.vector_load %arg7[%get3A_158, %get3A_159] {strides = array<i32>} : memref<200x64xf32, #tpu.memory_space<vmem>>, vector<1x16xf32>,
        %get3A_161 = vector.shape_cast %get3A_160 : vector<1x16xf32> to vector<16xf32>
        %swap3A_162 = arith.index_cast %scan3A_151 : i32 to index
        %swap3A_163 = arith.constant 0 : index
        %swap3A_164 = tpu.vector_load %arg9[%swap3A_162, %swap3A_163] {strides = array<i32>} : memref<128x64xf32, #tpu.memory_space<vmem>>, vector<1x16xf32>,
        %swap3A_165 = vector.shape_cast %swap3A_164 : vector<1x16xf32> to vector<16xf32>
        %swap3A_166 = vector.shape_cast %get3A_161 : vector<16xf32> to vector<1x16xf32>
        tpu.vector_store %arg9[%swap3A_162, %swap3A_163], %swap3A_166 {add = true, strides = array<i32>} : memref<128x64xf32, #tpu.memory_space<vmem>>, vector<1x16xf32>,
        %get3A_167 = arith.index_cast %select_n3A_157 : i32 to index
        %get3A_168 = arith.constant 16 : index
        %get3A_169 = tpu.vector_load %arg7[%get3A_167, %get3A_168] {strides = array<i32>} : memref<200x64xf32, #tpu.memory_space<vmem>>, vector<1x16xf32>,
        %get3A_170 = vector.shape_cast %get3A_169 : vector<1x16xf32> to vector<16xf32>
        %swap3A_171 = arith.index_cast %scan3A_151 : i32 to index
        %swap3A_172 = arith.constant 16 : index
        %swap3A_173 = tpu.vector_load %arg9[%swap3A_171, %swap3A_172] {strides = array<i32>} : memref<128x64xf32, #tpu.memory_space<vmem>>, vector<1x16xf32>,
        %swap3A_174 = vector.shape_cast %swap3A_173 : vector<1x16xf32> to vector<16xf32>
        %swap3A_175 = vector.shape_cast %get3A_170 : vector<16xf32> to vector<1x16xf32>
        tpu.vector_store %arg9[%swap3A_171, %swap3A_172], %swap3A_175 {add = true, strides = array<i32>} : memref<128x64xf32, #tpu.memory_space<vmem>>, vector<1x16xf32>,
        %get3A_176 = arith.index_cast %select_n3A_157 : i32 to index
        %get3A_177 = arith.constant 32 : index
        %get3A_178 = tpu.vector_load %arg7[%get3A_176, %get3A_177] {strides = array<i32>} : memref<200x64xf32, #tpu.memory_space<vmem>>, vector<1x16xf32>,
        %get3A_179 = vector.shape_cast %get3A_178 : vector<1x16xf32> to vector<16xf32>
        %swap3A_180 = arith.index_cast %scan3A_151 : i32 to index
        %swap3A_181 = arith.constant 32 : index
        %swap3A_182 = tpu.vector_load %arg9[%swap3A_180, %swap3A_181] {strides = array<i32>} : memref<128x64xf32, #tpu.memory_space<vmem>>, vector<1x16xf32>,
        %swap3A_183 = vector.shape_cast %swap3A_182 : vector<1x16xf32> to vector<16xf32>
        %swap3A_184 = vector.shape_cast %get3A_179 : vector<16xf32> to vector<1x16xf32>
        tpu.vector_store %arg9[%swap3A_180, %swap3A_181], %swap3A_184 {add = true, strides = array<i32>} : memref<128x64xf32, #tpu.memory_space<vmem>>, vector<1x16xf32>,
        %get3A_185 = arith.index_cast %select_n3A_157 : i32 to index
        %get3A_186 = arith.constant 48 : index
        %get3A_187 = tpu.vector_load %arg7[%get3A_185, %get3A_186] {strides = array<i32>} : memref<200x64xf32, #tpu.memory_space<vmem>>, vector<1x16xf32>,
        %get3A_188 = vector.shape_cast %get3A_187 : vector<1x16xf32> to vector<16xf32>
        %swap3A_189 = arith.index_cast %scan3A_151 : i32 to index
        %swap3A_190 = arith.constant 48 : index
        %swap3A_191 = tpu.vector_load %arg9[%swap3A_189, %swap3A_190] {strides = array<i32>} : memref<128x64xf32, #tpu.memory_space<vmem>>, vector<1x16xf32>,
        %swap3A_192 = vector.shape_cast %swap3A_191 : vector<1x16xf32> to vector<16xf32>
        %swap3A_193 = vector.shape_cast %get3A_188 : vector<16xf32> to vector<1x16xf32>
        tpu.vector_store %arg9[%swap3A_189, %swap3A_190], %swap3A_193 {add = true, strides = array<i32>} : memref<128x64xf32, #tpu.memory_space<vmem>>, vector<1x16xf32>,
        %scan3A_194 = arith.constant 3 : i32
        %scan3A_195 = arith.addi %scan3A_68, %scan3A_194 : i32
        %add3A_196 = arith.addi %rem3A_58, %scan3A_195 : i32
        %ge3A_197 = arith.constant 200 : i32
        %ge3A_198 = arith.cmpi sge, %add3A_196, %ge3A_197 : i32
        %sub3A_199 = arith.constant 200 : i32
        %sub3A_200 = arith.subi %add3A_196, %sub3A_199 : i32
        %select_n3A_201 = arith.select %ge3A_198, %sub3A_200, %add3A_196 : i32
        %get3A_202 = arith.index_cast %select_n3A_201 : i32 to index
        %get3A_203 = arith.constant 0 : index
        %get3A_204 = tpu.vector_load %arg7[%get3A_202, %get3A_203] {strides = array<i32>} : memref<200x64xf32, #tpu.memory_space<vmem>>, vector<1x16xf32>,
        %get3A_205 = vector.shape_cast %get3A_204 : vector<1x16xf32> to vector<16xf32>
        %swap3A_206 = arith.index_cast %scan3A_195 : i32 to index
        %swap3A_207 = arith.constant 0 : index
        %swap3A_208 = tpu.vector_load %arg9[%swap3A_206, %swap3A_207] {strides = array<i32>} : memref<128x64xf32, #tpu.memory_space<vmem>>, vector<1x16xf32>,
        %swap3A_209 = vector.shape_cast %swap3A_208 : vector<1x16xf32> to vector<16xf32>
        %swap3A_210 = vector.shape_cast %get3A_205 : vector<16xf32> to vector<1x16xf32>
        tpu.vector_store %arg9[%swap3A_206, %swap3A_207], %swap3A_210 {add = true, strides = array<i32>} : memref<128x64xf32, #tpu.memory_space<vmem>>, vector<1x16xf32>,
        %get3A_211 = arith.index_cast %select_n3A_201 : i32 to index
        %get3A_212 = arith.constant 16 : index
        %get3A_213 = tpu.vector_load %arg7[%get3A_211, %get3A_212] {strides = array<i32>} : memref<200x64xf32, #tpu.memory_space<vmem>>, vector<1x16xf32>,
        %get3A_214 = vector.shape_cast %get3A_213 : vector<1x16xf32> to vector<16xf32>
        %swap3A_215 = arith.index_cast %scan3A_195 : i32 to index
        %swap3A_216 = arith.constant 16 : index
        %swap3A_217 = tpu.vector_load %arg9[%swap3A_215, %swap3A_216] {strides = array<i32>} : memref<128x64xf32, #tpu.memory_space<vmem>>, vector<1x16xf32>,
        %swap3A_218 = vector.shape_cast %swap3A_217 : vector<1x16xf32> to vector<16xf32>
        %swap3A_219 = vector.shape_cast %get3A_214 : vector<16xf32> to vector<1x16xf32>
        tpu.vector_store %arg9[%swap3A_215, %swap3A_216], %swap3A_219 {add = true, strides = array<i32>} : memref<128x64xf32, #tpu.memory_space<vmem>>, vector<1x16xf32>,
        %get3A_220 = arith.index_cast %select_n3A_201 : i32 to index
        %get3A_221 = arith.constant 32 : index
        %get3A_222 = tpu.vector_load %arg7[%get3A_220, %get3A_221] {strides = array<i32>} : memref<200x64xf32, #tpu.memory_space<vmem>>, vector<1x16xf32>,
        %get3A_223 = vector.shape_cast %get3A_222 : vector<1x16xf32> to vector<16xf32>
        %swap3A_224 = arith.index_cast %scan3A_195 : i32 to index
        %swap3A_225 = arith.constant 32 : index
        %swap3A_226 = tpu.vector_load %arg9[%swap3A_224, %swap3A_225] {strides = array<i32>} : memref<128x64xf32, #tpu.memory_space<vmem>>, vector<1x16xf32>,
        %swap3A_227 = vector.shape_cast %swap3A_226 : vector<1x16xf32> to vector<16xf32>
        %swap3A_228 = vector.shape_cast %get3A_223 : vector<16xf32> to vector<1x16xf32>
        tpu.vector_store %arg9[%swap3A_224, %swap3A_225], %swap3A_228 {add = true, strides = array<i32>} : memref<128x64xf32, #tpu.memory_space<vmem>>, vector<1x16xf32>,
        %get3A_229 = arith.index_cast %select_n3A_201 : i32 to index
        %get3A_230 = arith.constant 48 : index
        %get3A_231 = tpu.vector_load %arg7[%get3A_229, %get3A_230] {strides = array<i32>} : memref<200x64xf32, #tpu.memory_space<vmem>>, vector<1x16xf32>,
        %get3A_232 = vector.shape_cast %get3A_231 : vector<1x16xf32> to vector<16xf32>
        %swap3A_233 = arith.index_cast %scan3A_195 : i32 to index
        %swap3A_234 = arith.constant 48 : index
        %swap3A_235 = tpu.vector_load %arg9[%swap3A_233, %swap3A_234] {strides = array<i32>} : memref<128x64xf32, #tpu.memory_space<vmem>>, vector<1x16xf32>,
        %swap3A_236 = vector.shape_cast %swap3A_235 : vector<1x16xf32> to vector<16xf32>
        %swap3A_237 = vector.shape_cast %get3A_232 : vector<16xf32> to vector<1x16xf32>
        tpu.vector_store %arg9[%swap3A_233, %swap3A_234], %swap3A_237 {add = true, strides = array<i32>} : memref<128x64xf32, #tpu.memory_space<vmem>>, vector<1x16xf32>,
      }
      %scan3A_64 = arith.constant 128 : i32
      %mul3A_65 = arith.constant 128 : i32
      %mul3A_66 = arith.muli %add3A_41, %mul3A_65 : i32
      %add3A_67 = arith.addi %mul3A_2, %mul3A_66 : i32
      "tpu.region"() ({
        %run_scoped3A = tpu.sem_alloc : memref<!tpu.dma_semaphore, #tpu.memory_space<semaphore_mem>>
        %dma_start3A_68 = arith.constant 0 : i32
        %dma_start3A_69 = tpu.memref_slice %arg5[%add3A_67, %dma_start3A_68] : memref<819200x64xf32, #tpu.memory_space<hbm>> -> memref<128x64xf32, #tpu.memory_space<hbm>>
        %dma_start3A_70 = arith.constant 0 : i32
        %dma_start3A_71 = tpu.memref_slice %arg5[%add3A_67, %dma_start3A_70] : memref<819200x64xf32, #tpu.memory_space<hbm>> -> memref<128x64xf32, #tpu.memory_space<hbm>>
        tpu.enqueue_dma source(%arg9 : memref<128x64xf32, #tpu.memory_space<vmem>>) target(%dma_start3A_71 : memref<128x64xf32, #tpu.memory_space<hbm>>) target_semaphore(%run_scoped3A : memref<!tpu.dma_semaphore, #tpu.memory_space<semaphore_mem>>)
        %dma_wait3A_72 = arith.constant 0 : i32
        %dma_wait3A_73 = tpu.memref_slice %arg5[%add3A_67, %dma_wait3A_72] : memref<819200x64xf32, #tpu.memory_space<hbm>> -> memref<128x64xf32, #tpu.memory_space<hbm>>
        %dma_wait3A_74 = arith.constant 0 : i32
        %dma_wait3A_75 = tpu.memref_slice %arg5[%add3A_67, %dma_wait3A_74] : memref<819200x64xf32, #tpu.memory_space<hbm>> -> memref<128x64xf32, #tpu.memory_space<hbm>>
        tpu.wait_dma2 semaphore(%run_scoped3A : memref<!tpu.dma_semaphore, #tpu.memory_space<semaphore_mem>>) src(%arg9 : memref<128x64xf32, #tpu.memory_space<vmem>>) dst(%dma_wait3A_75 : memref<128x64xf32, #tpu.memory_space<hbm>>)
        tpu.yield
      }) : () -> ()
    }
    %scan3A_11 = arith.constant 100 : i32
    return
  }
}

</mosaic_0001>

<sc_bundles>
// kernel: kernel.3.cloned.1.call-start
scs
__scs_entry_jumppad:
0x0: {  	(pc) =	sbr.rel $0x88, $3  }
0x1: {  	(tag) =	ssettag $0x0;
	lr =	simm.s32 $0x1  }
0x2: {  	[smem:$0x3F9E] =	sst lr;
	_ =	strace $0xD0000000  }
0x3: {  	_ = 	snop  }
0x4: {  	_ = 	snop  }
0x5: {  	_ = 	snop  }
0x6: {  	_ = 	snop  }
0x7: {  	_ = 	snop  }
__scs_overlays_trampoline_lowered:
0x8: {  	[smem:$0x3FAD] =	sst s0  }
0x9: {  	[smem:$0x3FAE] =	sst s1  }
0xa: {  	[smem:$0x3FAF] =	sst s2  }
0xb: {  	[smem:$0x3FB0] =	sst s3  }
0xc: {  	[smem:$0x3FB1] =	sst s4  }
0xd: {  	[smem:$0x3FB2] =	sst s5  }
0xe: {  	[smem:$0x3FB3] =	sst s6  }
0xf: {  	[smem:$0x3FB4] =	sst s7  }
0x10: {  	[smem:$0x3FB5] =	sst s8  }
0x11: {  	[smem:$0x3FB6] =	sst s9;
	s0 =	simm.s32 @!p0 $0x0  }
0x12: {  	s1 =	sld [smem:$0x3F9C];
	s0 =	simm.s32 @p0 $0x1  }
0x13: {  	[smem:$0x3FB7] =	sst s0;
	s0 =	simm.s32 @!p1 $0x0  }
0x14: {  	s2 =	sld [smem:$0x3F9B];
	s0 =	simm.s32 @p1 $0x1  }
0x15: {  	[smem:$0x3FB8] =	sst s0;
	s0 =	simm.s32 @!p2 $0x0  }
0x16: {  	s3 =	sld [smem:$0x3FDB];
	s0 =	simm.s32 @p2 $0x1  }
0x17: {  	s4 =	simm.s32 $0x1BF5;
	[smem:$0x3FBA] =	sst s0  }
0x18: {  	s0 =	sld [smem:$0x3F9D];
	_ =	swait.ge [sflag:s4], $0x0  }
0x19: {  	s7 =	sld [smem:$0x3F9E]  }
0x1a: {  	s8 =	sadd.s32 $0xFFFFE003, lr  }
0x1b: {  	s9 =	sadd.s32 $0xFFFFFEF7, lr;
	s5 =	simm.s32 $0xFFFFFFFF;
	p2 =	slt.u32 s8, $0xFFFFF086  }
0x1c: {  	p1 =	slt.u32 s9, $0xF7A;
	s5 =	simm.s32 @!p2 $0x0  }
0x1d: {  	s5 =	simm.s32 @p1 $0x1;
	p0 =	seq.s32 s7, s2  }
0x1e: {  	s7 =	smul.u32 @!p0 $0xF7A, s2;
	p2 =	seq.s32 @!p0 s5, $0x0  }
0x1f: {  	s9 =	smul.u32 $0xF7A, s1;
	s8 =	simm.s32 @!p0 $0x1BF5;
	p2 =	por !p2, p0  }
0x20: {  	[sflag:s8] =	ssyncset.s32 @!p0 $0xFFFFF086;
	s6 =	sadd.s32 @!p0 s3, s7;
	s7 =	simm.s32 @!p0 $0x108  }
0x21: {  	s3 =	sadd.s32 s3, s9;
	s6 =	sadd.s32 @!p0 $0x88, s6;
	s7 =	simm.s32 @p2 $0x1082  }
0x22: {  	[simem:s7], [sflag:s8] =	dma.local @!p0 [hbm:s6], $0xF7A  }
0x23: {  	s9 =	sor.u32 $0xD0000000, s2;
	s6 =	simm.s32 $0x108;
	_ =	swait.ge @!p0 [sflag:s8], $0x0  }
0x24: {  	s3 =	sadd.s32 $0x88, s3;
	s6 =	simm.s32 @!p1 $0x1082;
	[sflag:s4] =	ssyncset.s32 $0xFFFFF086  }
0x25: {  	[simem:s6], [sflag:s4] =	dma.local [hbm:s3], $0xF7A  }
0x26: {  	[smem:$0x3F9E] =	sst s1;
	(tag) =	ssettag s2;
	_ =	strace s9  }
0x27: {  	s1 =	sld [smem:$0x3FAE]  }
0x28: {  	s2 =	sld [smem:$0x3FAF]  }
0x29: {  	s4 =	sld [smem:$0x3FB1]  }
0x2a: {  	p0 =	seq.s32 s5, $0x0;
	s5 =	sld [smem:$0x3FB2]  }
0x2b: {  	s6 =	sld [smem:$0x3FB3]  }
0x2c: {  	s7 =	sld [smem:$0x3FB4]  }
0x2d: {  	s3 =	simm.s32 $0x108;
	s8 =	sld [smem:$0x3FB5]  }
0x2e: {  	s3 =	simm.s32 @!p0 $0x1082;
	s9 =	sld [smem:$0x3FB6]  }
0x2f: {  	lr =	sadd.s32 s0, s3;
	s0 =	sld [smem:$0x3FAD]  }
0x30: {  	s3 =	sld [smem:$0x3FB0]  }
0x31: {  	[smem:$0x3FB9] =	sst s10  }
0x32: {  	s10 =	sld [smem:$0x3FB7];
	_ =	sdelay $0x3  }
0x33: {  	p0 =	seq.s32 s10, $0x1;
	s10 =	sld [smem:$0x3FB9];
	_ =	sdelay $0x3  }
0x34: {  	[smem:$0x3FB9] =	sst s10  }
0x35: {  	s10 =	sld [smem:$0x3FB8];
	_ =	sdelay $0x3  }
0x36: {  	p1 =	seq.s32 s10, $0x1;
	s10 =	sld [smem:$0x3FB9];
	_ =	sdelay $0x3  }
0x37: {  	[smem:$0x3FB9] =	sst s10  }
0x38: {  	s10 =	sld [smem:$0x3FBA]  }
0x39: {  	_ = 	snop;
	(pc) =	sbr.ind lr, $3  }
0x3a: {  	_ = 	snop  }
0x3b: {  	_ = 	snop  }
0x3c: {  	p2 =	seq.s32 s10, $0x1;
	s10 =	sld [smem:$0x3FB9]  }
0x3d: {  	_ =	shalt  }
0x3e: {  	_ =	shalt  }
0x3f: {  	_ =	shalt  }
0x40: {  	_ =	shalt  }
0x41: {  	_ =	shalt  }
0x42: {  	_ =	shalt  }
0x43: {  	_ =	shalt  }
0x44: {  	_ =	shalt  }
0x45: {  	_ =	shalt  }
0x46: {  	_ =	shalt  }
0x47: {  	_ =	shalt  }
0x48: {  	_ =	shalt  }
0x49: {  	_ =	shalt  }
0x4a: {  	_ =	shalt  }
0x4b: {  	_ =	shalt  }
0x4c: {  	_ =	shalt  }
0x4d: {  	_ =	shalt  }
0x4e: {  	_ =	shalt  }
0x4f: {  	_ =	shalt  }
0x50: {  	_ =	shalt  }
0x51: {  	_ =	shalt  }
0x52: {  	_ =	shalt  }
0x53: {  	_ =	shalt  }
0x54: {  	_ =	shalt  }
0x55: {  	_ =	shalt  }
0x56: {  	_ =	shalt  }
0x57: {  	_ =	shalt  }
0x58: {  	_ =	shalt  }
0x59: {  	_ =	shalt  }
0x5a: {  	_ =	shalt  }
0x5b: {  	_ =	shalt  }
0x5c: {  	_ =	shalt  }
0x5d: {  	_ =	shalt  }
0x5e: {  	_ =	shalt  }
0x5f: {  	_ =	shalt  }
0x60: {  	_ =	shalt  }
0x61: {  	_ =	shalt  }
0x62: {  	_ =	shalt  }
0x63: {  	_ =	shalt  }
0x64: {  	_ =	shalt  }
0x65: {  	_ =	shalt  }
0x66: {  	_ =	shalt  }
0x67: {  	_ =	shalt  }
0x68: {  	_ =	shalt  }
0x69: {  	_ =	shalt  }
0x6a: {  	_ =	shalt  }
0x6b: {  	_ =	shalt  }
0x6c: {  	_ =	shalt  }
0x6d: {  	_ =	shalt  }
0x6e: {  	_ =	shalt  }
0x6f: {  	_ =	shalt  }
0x70: {  	_ =	shalt  }
0x71: {  	_ =	shalt  }
0x72: {  	_ =	shalt  }
0x73: {  	_ =	shalt  }
0x74: {  	_ =	shalt  }
0x75: {  	_ =	shalt  }
0x76: {  	_ =	shalt  }
0x77: {  	_ =	shalt  }
0x78: {  	_ =	shalt  }
0x79: {  	_ =	shalt  }
0x7a: {  	_ =	shalt  }
0x7b: {  	_ =	shalt  }
0x7c: {  	_ =	shalt  }
0x7d: {  	_ =	shalt  }
0x7e: {  	_ =	shalt  }
0x7f: {  	_ =	shalt  }
0x80: {  	_ =	shalt  }
0x81: {  	_ =	shalt  }
0x82: {  	_ =	shalt  }
0x83: {  	_ =	shalt  }
0x84: {  	_ =	shalt  }
0x85: {  	_ =	shalt  }
0x86: {  	_ =	shalt  }
0x87: {  	_ =	shalt  }
.Lfunc_end0:
.L_simem_size_0:
called_computation.1_lowered:
.L_overlay_start_0:
0x88: {  	s2 =	sld [smem:$0x3FD9]  }
0x89: {  	s3 =	sld [smem:$0x3FFE];
	_ =	sdelay $0x1  }
0x8a: {  	s1 =	srdreg.scid  }
0x8b: {  	s0 =	sand.u32 $0x1, s1  }
0x8c: {  	s17 =	sshll.u32 s0, $0xA;
	s2 =	sadd.s32 s3, s2  }
0x8d: {  	s2 =	sadd.s32 s2, s17  }
0x8e: {  	[smem:$0x3FC5] =	sst s2  }
0x8f: {  	_ = 	snop  }
0x90: {  	s2 =	sld [smem:$0x3FD0];
	(tm) =	ssettm $0x1  }
0x91: {  	s18 =	sld [smem:$0x3FFB];
	_ =	sdelay $0x3  }
0x92: {  	_ =	strace s18  }
0x93: {  	s3 =	sld [smem:$0x3FFC];
	_ =	sdelay $0x3  }
0x94: {  	_ =	strace s3  }
0x95: {  	s3 =	sld [smem:$0x3FFD];
	_ =	sdelay $0x3  }
0x96: {  	_ =	strace s3  }
0x97: {  	_ =	strace $0x8FFFFFFF  }
0x98: {  	s19 =	sld [smem:$0x3FDB];
	_ =	sdelay $0x1  }
0x99: {  	s4 =	simm.s32 $_scs_section_size  }
0x9a: {  	s5 =	simm.s32 $_size__tile_overlayer_lowered;
	s6 =	simm.s32 $_tile_overlayer_lowered  }
0x9b: {  	s22 =	simm.s32 $0x1BFF;
	s21 =	sshll.u32 s6, $0x1;
	s3 =	sadd.s32 s4, s19  }
0x9c: {  	s7 =	simm.s32 $0x0;
	s20 =	sshll.u32 s5, $0x1;
	s5 =	sadd.s32 s21, s3  }
0x9d: {  	[timem:s7], [sflag:s22] =	dma.local [hbm:s5], s20  }
0x9e: {  	_ =	swait.ge [sflag:s22], s20  }
0x9f: {  	s4 =	ssub.s32 $0x0, s20;
	[sflag:s22] =	ssyncset.done $0x0  }
0xa0: {  	[sflag:s22] =	ssyncadd.s32 s4;
	_ =	sdelay $0x1  }
0xa1: {  	s23 =	simm.s32 $0x1B8B  }
0xa2: {  	_ =	swait.ge [sflag:s23], $0x1  }
0xa3: {  	[sflag:s23] =	ssyncset.done $0x0  }
0xa4: {  	s25 =	simm.s32 $0x1B8E;
	s24 =	sld [smem:$0x3FFE];
	[sflag:s23] =	ssyncadd.s32 $0xFFFFFFFF  }
0xa5: {  	s26 =	simm.s32 $execute0_lowered;
	[smem:$0x3FD2] =	sst s25  }
0xa6: {  	s5 =	sshll.u32 s26, $0x1;
	_ =	strace $0x80000046;
	[dreg:$0x1] =	wrdreg $0xFFFFFFFF  }
0xa7: {  	s28 =	simm.s32 $_size_execute0_lowered;
	s3 =	sadd.s32 s3, s5;
	[dreg:$0x0] =	wrdreg $0x0  }
0xa8: {  	s5 =	sshll.u32 s28, $0x1;
	[dreg:$0x2] =	wrdreg s3  }
0xa9: {  	[dreg:$0x3] =	wrdreg s5  }
0xaa: {  	[dreg:$0x4] =	wrdreg $0xC0  }
0xab: {  	_ =	task [dreg:s7], $0x5FFFF  }
0xac: {  	[dreg:$0x1] =	wrdreg $0xFFFFFFFF  }
0xad: {  	[dreg:$0x0] =	wrdreg $0x60  }
0xae: {  	[dreg:$0x2] =	wrdreg s24  }
0xaf: {  	[dreg:$0x3] =	wrdreg s2  }
0xb0: {  	[dreg:$0x4] =	wrdreg $0x9  }
0xb1: {  	_ =	task.clear_ibuf [dreg:s7], $0x5FFFF;
	_ =	strace $0x90000046  }
0xb2: {  	s29 =	simm.s32 $0x9;
	_ =	strace $0x80000048  }
0xb3: {  	_ =	swait.ge [sflag:s29], $0x1  }
0xb4: {  	[sflag:s29] =	ssyncadd.s32 $0xFFFFFFFF  }
0xb5: {  	_ =	strace $0x90000048  }
0xb6: {  	_ =	sfence  }
0xb7: {  	s30 =	sld [smem:$0x0];
	_ =	sdelay $0x2  }
0xb8: {  	s31 =	sshll.u32 s1, $0xD;
	s1 =	sshrl.u32 s1, $0x2  }
0xb9: {  	s3 =	sand.u32 $0x4000, s31;
	s1 =	sadd.s32 s1, s30  }
0xba: {  	s0 =	sor.u32 s3, s0;
	s1 =	sshll.u32 s1, $0x11  }
0xbb: {  	s0 =	sor.u32 s1, s0  }
0xbc: {  	s0 =	sadd.s32 $0x8F2B, s0  }
0xbd: {  	[sflag:s0] =	ssyncadd.remote.s32 $0x1  }
0xbe: {  	_ =	sfence.sel $0xFFFF  }
0xbf: {  	[dreg:$0x0] =	wrdreg $0xFFFFFFFF;
	(pc) =	sbr.abs _section_cstart, $3  }
0xc0: {  	[dreg:$0x1] =	wrdreg $0xFFFFFFFF  }
0xc1: {  	_ =	task.clear_ibuf [dreg:s7], $0x2FFFF;
	_ =	strace $0x9FFFFFFF  }
0xc2: {  	(tm) =	ssettm $0x7FFFFFFF  }
0xc3: {  	_ =	shalt  }
tec
execute0_lowered:
.L_overlay_start_1:
0x0: {  	(tag) =	ssettag $0x1  }
0x1: {  	s1 =	srdreg.scid;
	s6 =	rddreg [dreg:$0x0]  }
0x2: {  	s0 =	stileid.u32;
	s2 =	rddreg [dreg:$0x1]  }
0x3: {  	s3 =	simm.s32 $0x0;
	s10 =	simm.s32 $0x6400;
	s11 =	simm.s32 $0x9600  }
0x4: {  	s12 =	simm.s32 $0x1;
	s5 =	sand.u32 $0x1, s1;
	s31 =	sshll.u32 s0, $0x1  }
0x5: {  	s13 =	simm.s32 $0x80;
	s14 =	simm.s32 $0xB600;
	s4 =	sor.u32 s5, s31  }
0x6: {  	s15 =	simm.s32 $0x2;
	[smem:$0x7FF] =	sst s3;
	s4 =	smul.u32 $0x6400, s4  }
0x7: {  	s16 =	simm.s32 $0x0;
	_ =	strace $0x80000047;
	s8 =	ssub.s32 $0x2, s5  }
0x8: {  	s5 =	sadd.s32 $0xF43000, s6;
	s9 =	sshrl.u32 s8, $0x1;
	s7 =	sshrl.u32 s4, $0x3  }
0x9: {  	s8 =	ssub.s32 s8, s9;
	s9 =	simm.s32 $0x3;
	s7 =	sadd.s32 s7, s6  }
0xa: {  	s8 =	smax.u32 s8, $0x1;
	s6 =	sadd.s32 $0x19C00, s6;
	s7 =	sadd.s32 $0xC00, s7  }
.LBB2_1:
0xb: {  	[tilespmem:s3], [sflag:$0x3] =	stream.linear.gather [hbm4b:s7+s3], $0x6400, $0x38;
	[tilespmem:$0xD600] =	vst v63  }
0xc: {  	_ =	swait.ge [sflag:s9], $0x6400  }
0xd: {  	[sflag:s9] =	ssyncset.done $0x0  }
0xe: {  	[sflag:s9] =	ssyncadd.s32 $0xFFFF9C00  }
0xf: {  	[tilespmem:s10], [sflag:$0x3] =	stream.linear.gather [hbm4b:s6+s3], $0x3200, $0x38;
	[tilespmem:$0xD600] =	vst v63  }
0x10: {  	s17 =	simm.s32 $0x20C0;
	_ =	swait.ge [sflag:s9], $0x3200  }
0x11: {  	s18 =	simm.s32 $0x80;
	s19 =	simm.s32 $0x0;
	[sflag:s9] =	ssyncset.done $0x0  }
0x12: {  	s20 =	simm.s32 $0x0;
	s21 =	simm.s32 $0x0;
	[sflag:s9] =	ssyncadd.s32 $0xFFFFCE00  }
0x13: {  	[tilespmem:s11], [sflag:$0x1] =	stream.indirect.gather [hbm4b:s5+s13], $0x40, s3, s13, $0xb8;
	[tilespmem:$0xD600] =	vst v63  }
.LBB2_2:
0x14: {  	s22 =	smulhi.u32 $0x51EB851F, s19;
	_ =	sdelay $0x1  }
0x15: {  	s22 =	sshrl.u32 s22, $0x6  }
0x16: {  	_ =	swait.ge [sflag:s12], $0x2000;
	s24 =	sshllo.u32 s21, $0x1;
	s23 =	smul.u32 $0xC8, s22  }
0x17: {  	[sflag:s12] =	ssyncset.done $0x0;
	s26 =	smul.u32 $0x3200, s22;
	s22 =	sshll.u32 s24, $0x7  }
0x18: {  	[sflag:s12] =	ssyncadd.s32 $0xFFFFE000;
	s24 =	sand.u32 $0x3FFFFF80, s22;
	s25 =	ssub.s32 s19, s23  }
0x19: {  	[tilespmem:s14], [sflag:$0x2] =	stream.indirect.gather [hbm4b:s5+s13], $0x40, s24, s13, $0xb8;
	[tilespmem:$0xD600] =	vst v63  }
0x1a: {  	s23 =	sadd.s32 $0xFFFFFFFC, s25  }
0x1b: {  	s29 =	ssub.s32 s20, s26;
	s31 =	sadd.s32 $0x4, s23  }
0x1c: {  	s24 =	sadd.s32 $0xFFFFCE00, s29;
	s1 =	smov.u32 s29;
	p0 =	sgt.u32 s31, $0xC7  }
0x1d: {  	s1 =	smov.u32 @p0 s24  }
0x1e: {  	v0 =	vld [tilespmem:s1+$0x6400];
	_ =	sdelay $0x3  }
0x1f: {  	s28 =	simm.s32 $0x96F0  }
0x20: {  	[tilespmem:s28+$0xFFFFFF10] =	vst.add.f32.msk $0xffff, v0  }
0x21: {  	v0 =	vld [tilespmem:s1+$0x6410];
	_ =	sdelay $0x4  }
0x22: {  	[tilespmem:s28+$0xFFFFFF20] =	vst.add.f32.msk $0xffff, v0  }
0x23: {  	v0 =	vld [tilespmem:s1+$0x6420];
	_ =	sdelay $0x4  }
0x24: {  	[tilespmem:s28+$0xFFFFFF30] =	vst.add.f32.msk $0xffff, v0  }
0x25: {  	v0 =	vld [tilespmem:s1+$0x6430];
	_ =	sdelay $0x1  }
0x26: {  	s0 =	sadd.s32 $0x5, s23  }
0x27: {  	p0 =	sgt.u32 s0, $0xC7;
	s24 =	simm.s32 $0xFFFFCE40  }
0x28: {  	s24 =	simm.s32 @!p0 $0x40  }
0x29: {  	s24 =	sadd.s32 s24, s29;
	[tilespmem:s28+$0xFFFFFF40] =	vst.add.f32.msk $0xffff, v0  }
0x2a: {  	v0 =	vld [tilespmem:s24+$0x6400];
	_ =	sdelay $0x4  }
0x2b: {  	[tilespmem:s28+$0xFFFFFF50] =	vst.add.f32.msk $0xffff, v0  }
0x2c: {  	v0 =	vld [tilespmem:s24+$0x6410];
	_ =	sdelay $0x4  }
0x2d: {  	[tilespmem:s28+$0xFFFFFF60] =	vst.add.f32.msk $0xffff, v0  }
0x2e: {  	v0 =	vld [tilespmem:s24+$0x6420];
	_ =	sdelay $0x4  }
0x2f: {  	[tilespmem:s28+$0xFFFFFF70] =	vst.add.f32.msk $0xffff, v0  }
0x30: {  	v0 =	vld [tilespmem:s24+$0x6430];
	_ =	sdelay $0x1  }
0x31: {  	s1 =	sadd.s32 $0x6, s23  }
0x32: {  	p0 =	sgt.u32 s1, $0xC7;
	s24 =	simm.s32 $0xFFFFCE80  }
0x33: {  	s24 =	simm.s32 @!p0 $0x80  }
0x34: {  	s24 =	sadd.s32 s24, s29;
	[tilespmem:s28+$0xFFFFFF80] =	vst.add.f32.msk $0xffff, v0  }
0x35: {  	v0 =	vld [tilespmem:s24+$0x6400];
	_ =	sdelay $0x4  }
0x36: {  	[tilespmem:s28+$0xFFFFFF90] =	vst.add.f32.msk $0xffff, v0  }
0x37: {  	v0 =	vld [tilespmem:s24+$0x6410];
	_ =	sdelay $0x4  }
0x38: {  	[tilespmem:s28+$0xFFFFFFA0] =	vst.add.f32.msk $0xffff, v0  }
0x39: {  	v0 =	vld [tilespmem:s24+$0x6420];
	_ =	sdelay $0x4  }
0x3a: {  	[tilespmem:s28+$0xFFFFFFB0] =	vst.add.f32.msk $0xffff, v0  }
0x3b: {  	v0 =	vld [tilespmem:s24+$0x6430];
	_ =	sdelay $0x1  }
0x3c: {  	s23 =	sadd.s32 $0x7, s23  }
0x3d: {  	p0 =	sgt.u32 s23, $0xC7;
	s23 =	simm.s32 $0xFFFFCEC0  }
0x3e: {  	s23 =	simm.s32 @!p0 $0xC0  }
0x3f: {  	s31 =	sadd.s32 s23, s29;
	[tilespmem:s28+$0xFFFFFFC0] =	vst.add.f32.msk $0xffff, v0  }
0x40: {  	v0 =	vld [tilespmem:s31+$0x6400];
	_ =	sdelay $0x4  }
0x41: {  	[tilespmem:s28+$0xFFFFFFD0] =	vst.add.f32.msk $0xffff, v0  }
0x42: {  	v0 =	vld [tilespmem:s31+$0x6410];
	_ =	sdelay $0x4  }
0x43: {  	[tilespmem:s28+$0xFFFFFFE0] =	vst.add.f32.msk $0xffff, v0  }
0x44: {  	v0 =	vld [tilespmem:s31+$0x6420]  }
0x45: {  	s24 =	smulhi.u32 $0x51EB851F, s18;
	_ =	sdelay $0x1  }
0x46: {  	s23 =	sshrl.u32 s24, $0x6  }
0x47: {  	s26 =	smul.u32 $0xC8, s23  }
0x48: {  	s30 =	simm.s32 $0x0;
	[tilespmem:s28+$0xFFFFFFF0] =	vst.add.f32.msk $0xffff, v0  }
0x49: {  	s0 =	sshll.u32 s21, $0x8;
	s23 =	smul.u32 $0xFFFFCE00, s23;
	s24 =	ssub.s32 s19, s26;
	v0 =	vld [tilespmem:s31+$0x6430]  }
.LBB2_3:
0x4a: {  	_ = 	snop  }
0x4b: {  	s31 =	sadd.s32 s30, s25;
	s30 =	sadd.s32 $0x4, s30  }
0x4c: {  	s29 =	sadd.s32 $0x100, s29;
	s1 =	sadd.s32 $0x4, s31;
	p0 =	slt.u32 s30, $0x7C  }
0x4d: {  	s26 =	smov.u32 s29;
	p1 =	sgt.u32 s1, $0xC7;
	s1 =	sadd.s32 $0xFFFFCE00, s29  }
0x4e: {  	s26 =	smov.u32 @p1 s1;
	[tilespmem:s28+$0x0] =	vst.add.f32.msk $0xffff, v0  }
0x4f: {  	v0 =	vld [tilespmem:s26+$0x6400];
	_ =	sdelay $0x3  }
0x50: {  	s28 =	sadd.s32 $0x100, s28  }
0x51: {  	[tilespmem:s28+$0xFFFFFF10] =	vst.add.f32.msk $0xffff, v0  }
0x52: {  	v0 =	vld [tilespmem:s26+$0x6410];
	_ =	sdelay $0x4  }
0x53: {  	[tilespmem:s28+$0xFFFFFF20] =	vst.add.f32.msk $0xffff, v0  }
0x54: {  	v0 =	vld [tilespmem:s26+$0x6420];
	_ =	sdelay $0x4  }
0x55: {  	[tilespmem:s28+$0xFFFFFF30] =	vst.add.f32.msk $0xffff, v0  }
0x56: {  	v0 =	vld [tilespmem:s26+$0x6430];
	_ =	sdelay $0x1  }
0x57: {  	s1 =	sadd.s32 $0x5, s31  }
0x58: {  	p1 =	sgt.u32 s1, $0xC7;
	s1 =	simm.s32 $0xFFFFCE40  }
0x59: {  	s1 =	simm.s32 @!p1 $0x40  }
0x5a: {  	s1 =	sadd.s32 s1, s29;
	[tilespmem:s28+$0xFFFFFF40] =	vst.add.f32.msk $0xffff, v0  }
0x5b: {  	v0 =	vld [tilespmem:s1+$0x6400];
	_ =	sdelay $0x4  }
0x5c: {  	[tilespmem:s28+$0xFFFFFF50] =	vst.add.f32.msk $0xffff, v0  }
0x5d: {  	v0 =	vld [tilespmem:s1+$0x6410];
	_ =	sdelay $0x4  }
0x5e: {  	[tilespmem:s28+$0xFFFFFF60] =	vst.add.f32.msk $0xffff, v0  }
0x5f: {  	v0 =	vld [tilespmem:s1+$0x6420];
	_ =	sdelay $0x4  }
0x60: {  	[tilespmem:s28+$0xFFFFFF70] =	vst.add.f32.msk $0xffff, v0  }
0x61: {  	v0 =	vld [tilespmem:s1+$0x6430];
	_ =	sdelay $0x1  }
0x62: {  	s1 =	sadd.s32 $0x6, s31  }
0x63: {  	p1 =	sgt.u32 s1, $0xC7;
	s1 =	simm.s32 $0xFFFFCE80  }
0x64: {  	s1 =	simm.s32 @!p1 $0x80  }
0x65: {  	s1 =	sadd.s32 s1, s29;
	[tilespmem:s28+$0xFFFFFF80] =	vst.add.f32.msk $0xffff, v0  }
0x66: {  	v0 =	vld [tilespmem:s1+$0x6400];
	_ =	sdelay $0x4  }
0x67: {  	[tilespmem:s28+$0xFFFFFF90] =	vst.add.f32.msk $0xffff, v0  }
0x68: {  	v0 =	vld [tilespmem:s1+$0x6410];
	_ =	sdelay $0x4  }
0x69: {  	[tilespmem:s28+$0xFFFFFFA0] =	vst.add.f32.msk $0xffff, v0  }
0x6a: {  	v0 =	vld [tilespmem:s1+$0x6420];
	_ =	sdelay $0x4  }
0x6b: {  	[tilespmem:s28+$0xFFFFFFB0] =	vst.add.f32.msk $0xffff, v0  }
0x6c: {  	v0 =	vld [tilespmem:s1+$0x6430];
	_ =	sdelay $0x1  }
0x6d: {  	s1 =	sadd.s32 $0x7, s31  }
0x6e: {  	p1 =	sgt.u32 s1, $0xC7;
	s1 =	simm.s32 $0xFFFFCEC0  }
0x6f: {  	s1 =	simm.s32 @!p1 $0xC0  }
0x70: {  	s1 =	sadd.s32 s1, s29;
	[tilespmem:s28+$0xFFFFFFC0] =	vst.add.f32.msk $0xffff, v0  }
0x71: {  	v0 =	vld [tilespmem:s1+$0x6400];
	_ =	sdelay $0x4  }
0x72: {  	[tilespmem:s28+$0xFFFFFFD0] =	vst.add.f32.msk $0xffff, v0  }
0x73: {  	v0 =	vld [tilespmem:s1+$0x6410];
	_ =	sdelay $0x4  }
0x74: {  	[tilespmem:s28+$0xFFFFFFE0] =	vst.add.f32.msk $0xffff, v0  }
0x75: {  	v0 =	vld [tilespmem:s1+$0x6420];
	_ =	sdelay $0x1  }
.Ltmp0:
0x76: {  	(pc) =	sbr.rel @p0 .LBB2_3-.Ltmp0, $3  }
0x77: {  	_ =	sdelay $0x1  }
0x78: {  	[tilespmem:s28+$0xFFFFFFF0] =	vst.add.f32.msk $0xffff, v0  }
0x79: {  	v0 =	vld [tilespmem:s1+$0x6430]  }
0x7a: {  	_ =	sdelay $0x1  }
0x7b: {  	s0 =	sadd.s32 s4, s0  }
0x7c: {  	s0 =	sshll.u32 s0, $0x3  }
0x7d: {  	s0 =	sadd.s32 s2, s0;
	[tilespmem:s28+$0x0] =	vst.add.f32.msk $0xffff, v0  }
0x7e: {  	[hbm4b:s0+s3] =	stream.linear.scatter [tilespmem:s11], [sflag:$0x3], $0x2000, $0x38;
	[tilespmem:$0xD600] =	vst v63  }
0x7f: {  	_ =	swait.ge [sflag:s9], $0x2000  }
0x80: {  	[sflag:s9] =	ssyncset.done $0x0  }
0x81: {  	p0 =	seq.s32 s21, $0x63;
	s26 =	sadd.s32 $0xFFFFFFFC, s24;
	[sflag:s9] =	ssyncadd.s32 $0xFFFFE000  }
0x82: {  	s1 =	simm.s32 @!p0 $0x80;
	s0 =	sshll.u32 @!p0 s21, $0x8;
	_ =	swait.ge [sflag:s15], $0x2000  }
0x83: {  	s25 =	simm.s32 @!p0 $0x9600;
	s0 =	sand.u32 @!p0 $0x3FFFFF00, s0;
	[sflag:s15] =	ssyncset.done $0x0  }
0x84: {  	s29 =	sadd.s32 $0x84, s26;
	s0 =	sadd.s32 @!p0 $0x100, s0;
	[sflag:s15] =	ssyncadd.s32 $0xFFFFE000  }
0x85: {  	[tilespmem:s25], [sflag:$0x1] =	stream.indirect.gather @!p0 [hbm4b:s5+s1], $0x40, s0, s1, $0xb8;
	[tilespmem:$0xD600] =	vst v63  }
0x86: {  	p0 =	sgt.u32 s29, $0xC7;
	s1 =	simm.s32 $0xFFFFCD40  }
0x87: {  	s28 =	sadd.s32 s17, s23;
	s1 =	simm.s32 @!p0 $0xFFFFFF40  }
0x88: {  	s1 =	sadd.s32 s1, s28  }
0x89: {  	v0 =	vld [tilespmem:s1+$0x6400];
	_ =	sdelay $0x3  }
0x8a: {  	s25 =	simm.s32 $0xB6F0  }
0x8b: {  	[tilespmem:s25+$0xFFFFFF10] =	vst.add.f32.msk $0xffff, v0  }
0x8c: {  	v0 =	vld [tilespmem:s1+$0x6410];
	_ =	sdelay $0x4  }
0x8d: {  	[tilespmem:s25+$0xFFFFFF20] =	vst.add.f32.msk $0xffff, v0  }
0x8e: {  	v0 =	vld [tilespmem:s1+$0x6420];
	_ =	sdelay $0x4  }
0x8f: {  	[tilespmem:s25+$0xFFFFFF30] =	vst.add.f32.msk $0xffff, v0  }
0x90: {  	v0 =	vld [tilespmem:s1+$0x6430];
	_ =	sdelay $0x1  }
0x91: {  	s30 =	sadd.s32 $0x85, s26  }
0x92: {  	p0 =	sgt.u32 s30, $0xC7;
	s1 =	simm.s32 $0xFFFFCD80  }
0x93: {  	s1 =	simm.s32 @!p0 $0xFFFFFF80  }
0x94: {  	s1 =	sadd.s32 s1, s28;
	[tilespmem:s25+$0xFFFFFF40] =	vst.add.f32.msk $0xffff, v0  }
0x95: {  	v0 =	vld [tilespmem:s1+$0x6400];
	_ =	sdelay $0x4  }
0x96: {  	[tilespmem:s25+$0xFFFFFF50] =	vst.add.f32.msk $0xffff, v0  }
0x97: {  	v0 =	vld [tilespmem:s1+$0x6410];
	_ =	sdelay $0x4  }
0x98: {  	[tilespmem:s25+$0xFFFFFF60] =	vst.add.f32.msk $0xffff, v0  }
0x99: {  	v0 =	vld [tilespmem:s1+$0x6420];
	_ =	sdelay $0x4  }
0x9a: {  	[tilespmem:s25+$0xFFFFFF70] =	vst.add.f32.msk $0xffff, v0  }
0x9b: {  	v0 =	vld [tilespmem:s1+$0x6430];
	_ =	sdelay $0x1  }
0x9c: {  	s31 =	sadd.s32 $0x86, s26  }
0x9d: {  	p0 =	sgt.u32 s31, $0xC7;
	s1 =	simm.s32 $0xFFFFCDC0  }
0x9e: {  	s1 =	simm.s32 @!p0 $0xFFFFFFC0  }
0x9f: {  	s1 =	sadd.s32 s1, s28;
	[tilespmem:s25+$0xFFFFFF80] =	vst.add.f32.msk $0xffff, v0  }
0xa0: {  	v0 =	vld [tilespmem:s1+$0x6400];
	_ =	sdelay $0x4  }
0xa1: {  	[tilespmem:s25+$0xFFFFFF90] =	vst.add.f32.msk $0xffff, v0  }
0xa2: {  	v0 =	vld [tilespmem:s1+$0x6410];
	_ =	sdelay $0x4  }
0xa3: {  	[tilespmem:s25+$0xFFFFFFA0] =	vst.add.f32.msk $0xffff, v0  }
0xa4: {  	v0 =	vld [tilespmem:s1+$0x6420];
	_ =	sdelay $0x4  }
0xa5: {  	[tilespmem:s25+$0xFFFFFFB0] =	vst.add.f32.msk $0xffff, v0  }
0xa6: {  	v0 =	vld [tilespmem:s1+$0x6430];
	_ =	sdelay $0x2  }
0xa7: {  	s0 =	sadd.s32 $0x87, s26  }
0xa8: {  	p0 =	sgt.u32 s0, $0xC7;
	s0 =	sadd.s32 $0xFFFFCE00, s28  }
0xa9: {  	s28 =	smov.u32 @p0 s0;
	[tilespmem:s25+$0xFFFFFFC0] =	vst.add.f32.msk $0xffff, v0  }
0xaa: {  	v0 =	vld [tilespmem:s28+$0x6400];
	_ =	sdelay $0x4  }
0xab: {  	[tilespmem:s25+$0xFFFFFFD0] =	vst.add.f32.msk $0xffff, v0  }
0xac: {  	v0 =	vld [tilespmem:s28+$0x6410];
	_ =	sdelay $0x4  }
0xad: {  	[tilespmem:s25+$0xFFFFFFE0] =	vst.add.f32.msk $0xffff, v0  }
0xae: {  	v0 =	vld [tilespmem:s28+$0x6420];
	_ =	sdelay $0x4  }
0xaf: {  	[tilespmem:s25+$0xFFFFFFF0] =	vst.add.f32.msk $0xffff, v0  }
0xb0: {  	s26 =	simm.s32 $0x0;
	v0 =	vld [tilespmem:s28+$0x6430];
	s28 =	smov.u32 s17  }
.LBB2_5:
0xb1: {  	s30 =	sadd.s32 s26, s24;
	s26 =	sadd.s32 $0x4, s26  }
0xb2: {  	s0 =	sadd.s32 $0x84, s30;
	p0 =	slt.u32 s26, $0x7C  }
0xb3: {  	s28 =	sadd.s32 $0x100, s28;
	p1 =	sgt.u32 s0, $0xC7;
	s0 =	simm.s32 $0xFFFFCD40  }
0xb4: {  	s29 =	sadd.s32 s28, s23;
	s0 =	simm.s32 @!p1 $0xFFFFFF40  }
0xb5: {  	s0 =	sadd.s32 s0, s29;
	[tilespmem:s25+$0x0] =	vst.add.f32.msk $0xffff, v0  }
0xb6: {  	v0 =	vld [tilespmem:s0+$0x6400];
	_ =	sdelay $0x3  }
0xb7: {  	s25 =	sadd.s32 $0x100, s25  }
0xb8: {  	[tilespmem:s25+$0xFFFFFF10] =	vst.add.f32.msk $0xffff, v0  }
0xb9: {  	v0 =	vld [tilespmem:s0+$0x6410];
	_ =	sdelay $0x4  }
0xba: {  	[tilespmem:s25+$0xFFFFFF20] =	vst.add.f32.msk $0xffff, v0  }
0xbb: {  	v0 =	vld [tilespmem:s0+$0x6420];
	_ =	sdelay $0x4  }
0xbc: {  	[tilespmem:s25+$0xFFFFFF30] =	vst.add.f32.msk $0xffff, v0  }
0xbd: {  	v0 =	vld [tilespmem:s0+$0x6430];
	_ =	sdelay $0x1  }
0xbe: {  	s0 =	sadd.s32 $0x85, s30  }
0xbf: {  	p1 =	sgt.u32 s0, $0xC7;
	s0 =	simm.s32 $0xFFFFCD80  }
0xc0: {  	s0 =	simm.s32 @!p1 $0xFFFFFF80  }
0xc1: {  	s0 =	sadd.s32 s0, s29;
	[tilespmem:s25+$0xFFFFFF40] =	vst.add.f32.msk $0xffff, v0  }
0xc2: {  	v0 =	vld [tilespmem:s0+$0x6400];
	_ =	sdelay $0x4  }
0xc3: {  	[tilespmem:s25+$0xFFFFFF50] =	vst.add.f32.msk $0xffff, v0  }
0xc4: {  	v0 =	vld [tilespmem:s0+$0x6410];
	_ =	sdelay $0x4  }
0xc5: {  	[tilespmem:s25+$0xFFFFFF60] =	vst.add.f32.msk $0xffff, v0  }
0xc6: {  	v0 =	vld [tilespmem:s0+$0x6420];
	_ =	sdelay $0x4  }
0xc7: {  	[tilespmem:s25+$0xFFFFFF70] =	vst.add.f32.msk $0xffff, v0  }
0xc8: {  	v0 =	vld [tilespmem:s0+$0x6430];
	_ =	sdelay $0x1  }
0xc9: {  	s0 =	sadd.s32 $0x86, s30  }
0xca: {  	p1 =	sgt.u32 s0, $0xC7;
	s0 =	simm.s32 $0xFFFFCDC0  }
0xcb: {  	s0 =	simm.s32 @!p1 $0xFFFFFFC0  }
0xcc: {  	s0 =	sadd.s32 s0, s29;
	[tilespmem:s25+$0xFFFFFF80] =	vst.add.f32.msk $0xffff, v0  }
0xcd: {  	v0 =	vld [tilespmem:s0+$0x6400];
	_ =	sdelay $0x4  }
0xce: {  	[tilespmem:s25+$0xFFFFFF90] =	vst.add.f32.msk $0xffff, v0  }
0xcf: {  	v0 =	vld [tilespmem:s0+$0x6410];
	_ =	sdelay $0x4  }
0xd0: {  	[tilespmem:s25+$0xFFFFFFA0] =	vst.add.f32.msk $0xffff, v0  }
0xd1: {  	v0 =	vld [tilespmem:s0+$0x6420];
	_ =	sdelay $0x4  }
0xd2: {  	[tilespmem:s25+$0xFFFFFFB0] =	vst.add.f32.msk $0xffff, v0  }
0xd3: {  	v0 =	vld [tilespmem:s0+$0x6430];
	_ =	sdelay $0x2  }
0xd4: {  	s0 =	sadd.s32 $0x87, s30  }
0xd5: {  	p1 =	sgt.u32 s0, $0xC7;
	s0 =	sadd.s32 $0xFFFFCE00, s29  }
0xd6: {  	s29 =	smov.u32 @p1 s0;
	[tilespmem:s25+$0xFFFFFFC0] =	vst.add.f32.msk $0xffff, v0  }
0xd7: {  	v0 =	vld [tilespmem:s29+$0x6400];
	_ =	sdelay $0x4  }
0xd8: {  	[tilespmem:s25+$0xFFFFFFD0] =	vst.add.f32.msk $0xffff, v0  }
0xd9: {  	v0 =	vld [tilespmem:s29+$0x6410];
	_ =	sdelay $0x4  }
0xda: {  	[tilespmem:s25+$0xFFFFFFE0] =	vst.add.f32.msk $0xffff, v0  }
0xdb: {  	v0 =	vld [tilespmem:s29+$0x6420];
	_ =	sdelay $0x1  }
.Ltmp1:
0xdc: {  	(pc) =	sbr.rel @p0 .LBB2_5-.Ltmp1, $3  }
0xdd: {  	_ =	sdelay $0x1  }
0xde: {  	[tilespmem:s25+$0xFFFFFFF0] =	vst.add.f32.msk $0xffff, v0  }
0xdf: {  	v0 =	vld [tilespmem:s29+$0x6430]  }
0xe0: {  	_ = 	snop  }
0xe1: {  	s0 =	sadd.s32 s4, s22  }
0xe2: {  	s21 =	sadd.s32 $0x1, s21;
	s0 =	sshll.u32 s0, $0x3  }
0xe3: {  	p0 =	sne.s32 s21, $0x64;
	s0 =	sand.u32 $0x1FFFFC00, s0  }
.Ltmp2:
0xe4: {  	s0 =	sadd.s32 s2, s0;
	[tilespmem:s25+$0x0] =	vst.add.f32.msk $0xffff, v0;
	(pc) =	sbr.rel @p0 .LBB2_2-.Ltmp2, $4  }
0xe5: {  	[hbm4b:s0+s3] =	stream.linear.scatter [tilespmem:s14], [sflag:$0x3], $0x2000, $0x38;
	[tilespmem:$0xD600] =	vst v63  }
0xe6: {  	_ =	swait.ge [sflag:s9], $0x2000  }
0xe7: {  	s20 =	sadd.s32 $0x4000, s20;
	s19 =	sadd.s32 $0x100, s19;
	[sflag:s9] =	ssyncset.done $0x0  }
0xe8: {  	s18 =	sadd.s32 $0x100, s18;
	s17 =	sadd.s32 $0x4000, s17;
	[sflag:s9] =	ssyncadd.s32 $0xFFFFE000  }
0xe9: {  	s16 =	sadd.s32 $0x1, s16  }
0xea: {  	p0 =	sne.s32 s16, s8  }
.Ltmp3:
0xeb: {  	_ = 	snop;
	(pc) =	sbr.rel @p0 .LBB2_1-.Ltmp3, $1  }
0xec: {  	_ =	sdelay $0x3  }
0xed: {  	_ =	sfence.sel $0x180000  }
0xee: {  	[bflag:$0x0] =	sbarrier.arrive $0xFFFF  }
0xef: {  	_ =	strace $0x90000047  }
0xf0: {  	s0 =	stileid.u32;
	[bflag:$0x2] =	sbarrier.arrive $0xFFFF  }
0xf1: {  	p0 =	sne.s32 s0, $0x0;
	s0 =	rddreg [dreg:$0x2]  }
0xf2: {  	s0 =	sadd.s32 @!p0 $0x100000, s0  }
0xf3: {  	[sflag:s0] =	ssyncadd.tile.s32 @!p0 $0x1;
	_ =	shalt  }
.Lfunc_end2:
_tile_overlayer_lowered:
.L_overlay_start_2:
0xf4: {  	(tag) =	ssettag $0x2  }
0xf5: {  	s0 =	rddreg [dreg:$0x0];
	s2 =	stileid.u32  }
0xf6: {  	s1 =	rddreg [dreg:$0x1];
	p0 =	sne.s32 s2, $0x0  }
0xf7: {  	s3 =	rddreg [dreg:$0x2];
	[bflag:$0x3] =	sbarrier.arrive $0xFFFF;
	s2 =	simm.s32 @!p0 $0x1C03  }
0xf8: {  	[timem:s3], [sflag:s2] =	dma.local @!p0 [hbm:s0], s1  }
0xf9: {  	s0 =	simm.s32 @!p0 $0x3  }
0xfa: {  	_ =	swait.ge @!p0 [sflag:s0], s1  }
0xfb: {  	s1 =	ssub.s32 @!p0 $0x0, s1;
	[sflag:s0] =	ssyncset.done @!p0 $0x0  }
0xfc: {  	[sflag:s0] =	ssyncadd.s32 @!p0 s1  }
0xfd: {  	[bflag:$0x3] =	sbarrier.arrive $0xFFFF  }
0xfe: {  	_ =	shalt  }

// kernel: sparse-core-data-format-call.cloned.1.call-start
scs
called_computation_lowered:
.L_overlay_start_0:
0x0: {  	s2 =	sld [smem:$0x3FD9]  }
0x1: {  	s3 =	sld [smem:$0x3FFE];
	_ =	sdelay $0x1  }
0x2: {  	s1 =	srdreg.scid  }
0x3: {  	s0 =	sand.u32 $0x1, s1  }
0x4: {  	s18 =	sshll.u32 s0, $0xA;
	s2 =	sadd.s32 s3, s2  }
0x5: {  	s2 =	sadd.s32 s2, s18  }
0x6: {  	[smem:$0x3FC5] =	sst s2  }
0x7: {  	_ = 	snop  }
0x8: {  	s2 =	sld [smem:$0x3FD0];
	(tm) =	ssettm $0x1  }
0x9: {  	s19 =	sld [smem:$0x3FFB];
	_ =	sdelay $0x3  }
0xa: {  	_ =	strace s19  }
0xb: {  	s3 =	sld [smem:$0x3FFC];
	_ =	sdelay $0x3  }
0xc: {  	_ =	strace s3  }
0xd: {  	s3 =	sld [smem:$0x3FFD];
	_ =	sdelay $0x3  }
0xe: {  	_ =	strace s3  }
0xf: {  	_ =	strace $0x8FFFFFFF  }
0x10: {  	s20 =	sld [smem:$0x3FDB];
	_ =	sdelay $0x1  }
0x11: {  	s4 =	simm.s32 $_scs_section_size  }
0x12: {  	s5 =	simm.s32 $_size__tile_overlayer_lowered;
	s6 =	simm.s32 $_tile_overlayer_lowered  }
0x13: {  	s23 =	simm.s32 $0x1BFF;
	s22 =	sshll.u32 s6, $0x1;
	s3 =	sadd.s32 s4, s20  }
0x14: {  	s7 =	simm.s32 $0x0;
	s21 =	sshll.u32 s5, $0x1;
	s5 =	sadd.s32 s22, s3  }
0x15: {  	[timem:s7], [sflag:s23] =	dma.local [hbm:s5], s21  }
0x16: {  	_ =	swait.ge [sflag:s23], s21  }
0x17: {  	s4 =	ssub.s32 $0x0, s21;
	[sflag:s23] =	ssyncset.done $0x0  }
0x18: {  	[sflag:s23] =	ssyncadd.s32 s4;
	_ =	sdelay $0x1  }
0x19: {  	s24 =	simm.s32 $0x1B8B  }
0x1a: {  	_ =	swait.ge [sflag:s24], $0x1  }
0x1b: {  	[sflag:s24] =	ssyncset.done $0x0  }
0x1c: {  	s26 =	simm.s32 $0x1B8E;
	s25 =	sld [smem:$0x3FFE];
	[sflag:s24] =	ssyncadd.s32 $0xFFFFFFFF  }
0x1d: {  	s27 =	simm.s32 $execute0_lowered;
	[smem:$0x3FD2] =	sst s26  }
0x1e: {  	s5 =	sshll.u32 s27, $0x1;
	_ =	strace $0x80000049;
	[dreg:$0x1] =	wrdreg $0xFFFFFFFF  }
0x1f: {  	s28 =	simm.s32 $_size_execute0_lowered;
	s3 =	sadd.s32 s3, s5;
	[dreg:$0x0] =	wrdreg $0x0  }
0x20: {  	s5 =	sshll.u32 s28, $0x1;
	[dreg:$0x2] =	wrdreg s3  }
0x21: {  	[dreg:$0x3] =	wrdreg s5  }
0x22: {  	[dreg:$0x4] =	wrdreg $0xC0  }
0x23: {  	_ =	task [dreg:s7], $0x5FFFF  }
0x24: {  	[dreg:$0x1] =	wrdreg $0xFFFFFFFF  }
0x25: {  	[dreg:$0x0] =	wrdreg $0x60  }
0x26: {  	[dreg:$0x2] =	wrdreg s25  }
0x27: {  	[dreg:$0x3] =	wrdreg s2  }
0x28: {  	[dreg:$0x4] =	wrdreg $0x9  }
0x29: {  	_ =	task.clear_ibuf [dreg:s7], $0x5FFFF;
	_ =	strace $0x90000049  }
0x2a: {  	s29 =	simm.s32 $0x9;
	_ =	strace $0x8000004B  }
0x2b: {  	_ =	swait.ge [sflag:s29], $0x1  }
0x2c: {  	[sflag:s29] =	ssyncadd.s32 $0xFFFFFFFF  }
0x2d: {  	_ =	strace $0x9000004B  }
0x2e: {  	_ =	sfence  }
0x2f: {  	s30 =	sld [smem:$0x0];
	_ =	sdelay $0x2  }
0x30: {  	s31 =	sshll.u32 s1, $0xD;
	s1 =	sshrl.u32 s1, $0x2  }
0x31: {  	s3 =	sand.u32 $0x4000, s31;
	s1 =	sadd.s32 s1, s30  }
0x32: {  	s0 =	sor.u32 s3, s0;
	s1 =	sshll.u32 s1, $0x11  }
0x33: {  	s0 =	sor.u32 s1, s0  }
0x34: {  	s0 =	sadd.s32 $0x8F2B, s0  }
0x35: {  	[sflag:s0] =	ssyncadd.remote.s32 $0x1  }
0x36: {  	_ =	sfence.sel $0xFFFF  }
0x37: {  	[dreg:$0x0] =	wrdreg $0xFFFFFFFF;
	(pc) =	sbr.abs _section_cstart, $3  }
0x38: {  	[dreg:$0x1] =	wrdreg $0xFFFFFFFF  }
0x39: {  	_ =	task.clear_ibuf [dreg:s7], $0x2FFFF;
	_ =	strace $0x9FFFFFFF  }
0x3a: {  	(tm) =	ssettm $0x7FFFFFFF  }
0x3b: {  	_ =	shalt  }
tec
execute0_lowered:
.L_overlay_start_1:
0x0: {  	(tag) =	ssettag $0x1  }
0x1: {  	s0 =	srdreg.scid  }
0x2: {  	s1 =	sshll.u32 s0, $0x4  }
0x3: {  	s0 =	stileid.u32;
	s1 =	sand.u32 $0x10, s1  }
0x4: {  	s1 =	sor.u32 s0, s1  }
0x5: {  	s6 =	rddreg [dreg:$0x0];
	s4 =	simm.s32 $0x1;
	s2 =	sshll.u32 s1, $0x7  }
0x6: {  	s7 =	simm.s32 $0x2;
	s12 =	simm.s32 $0x0;
	s1 =	ssub.s32 $0x1000, s2  }
0x7: {  	s8 =	simm.s32 $0x8000;
	s13 =	simm.s32 $0x0;
	s3 =	sand.u32 $0xF80, s1  }
0x8: {  	s9 =	simm.s32 $0x0;
	s5 =	sshrl.u32 s1, $0xC;
	p0 =	sne.s32 s3, $0x0  }
.Ltmp0:
0x9: {  	s1 =	rddreg [dreg:$0x2];
	s4 =	simm.s32 @!p0 $0x0;
	(pc) =	sbr.rel .LBB1_1-.Ltmp0, $4  }
0xa: {  	s11 =	simm.s32 $0x0;
	s3 =	rddreg [dreg:$0x1];
	s5 =	sadd.s32 s4, s5  }
0xb: {  	_ =	strace $0x8000004A;
	s4 =	simm.s32 $0x1;
	s5 =	smul.u32 $0xC8, s5  }
0xc: {  	s6 =	sadd.s32 $0xC00, s6;
	s10 =	smov.u32 s2;
	[sflag:s4] =	ssyncpa.u1 $0x0  }
0xd: {  	p0 =	por $0x0, $0x0;
	[sflag:s7] =	ssyncpa.u1 $0x0;
	s7 =	sor.u32 $0x1, s5  }
.LBB1_4:
0xe: {  	s16 =	sshll.u32 s13, $0x3;
	s17 =	sand.u32 $0x78, s13  }
0xf: {  	s30 =	sand.u32 $0x7E00, s13;
	s12 =	sshll.u32 s12, $0xF;
	s16 =	sand.u32 $0xC00, s16  }
0x10: {  	[tilespmem:s15+$0x810 ss:$0x81] =	vst.msk $0xffff, v2;
	s31 =	sand.u32 $0x7, s13;
	s16 =	sor.u32 s17, s16;
	s17 =	sadd.s32 s3, s30  }
0x11: {  	[tilespmem:s15+$0x1020 ss:$0x81] =	vst.msk $0xffff, v0;
	s13 =	sshll.u32 s31, $0x12;
	s12 =	sadd.s32 s12, s17;
	s16 =	sshrl.u32 s16, $0x3  }
0x12: {  	[tilespmem:s15+$0x0 ss:$0x81] =	vst.msk $0xffff, v1;
	s13 =	sor.u32 $0x400, s13;
	s12 =	sadd.s32 s16, s12  }
0x13: {  	[hbm4b:s12+s13] =	stream.strided.scatter [tilespmem:s14], [sflag:$0x2], $0x2000, s8, s13, $0x20;
	[tilespmem:$0x8080] =	vst v63  }
.LBB1_5:
0x14: {  	s14 =	sadd.s32 $0x1, s9  }
0x15: {  	s12 =	sadd.s32 $0x1000, s10;
	s16 =	smov.u32 s10;
	p2 =	sgt.s32 s14, $0xC7  }
0x16: {  	s16 =	smov.u32 @p2 s12  }
0x17: {  	s14 =	simm.s32 @p2 $0x0;
	p2 =	sgt.s32 s16, $0xFFF  }
0x18: {  	s16 =	smov.u32 @p2 s2;
	p2 =	sne.s32 s11, s7  }
.Ltmp1:
0x19: {  	p1 =	slt.u32 s11, $0x2;
	(pc) =	sbr.rel @!p2 .LBB1_6-.Ltmp1, $4  }
0x1a: {  	s15 =	simm.s32 @!p1 $0x2  }
0x1b: {  	s13 =	smov.u32 s10;
	p0 =	por !p0, !p0;
	_ =	swait.ge @!p1 [sflag:s15], $0x2000  }
0x1c: {  	s12 =	smov.u32 s9;
	[sflag:s15] =	ssyncset.done @!p1 $0x0;
	s9 =	smov.u32 s14  }
0x1d: {  	s11 =	sadd.s32 $0x1, s11;
	[sflag:s15] =	ssyncadd.s32 @!p1 $0xFFFFE000;
	s10 =	smov.u32 s16  }
.LBB1_1:
0x1e: {  	p1 =	sge.u32 s11, s5  }
0x1f: {  	s14 =	sand.u32 @!p1 $0x1FFFFFF, s9  }
0x20: {  	s15 =	smulhi.u32 @!p1 $0x147AE15, s14;
	_ =	sdelay $0x1  }
0x21: {  	s15 =	smul.u32 @!p1 $0xC8, s15  }
0x22: {  	s16 =	sxor.u32 @!p1 $0xFFFFFFFF, s11;
	s17 =	smul.u32 @!p1 $0xC80, s10  }
0x23: {  	s31 =	sadd.s32 $0xFFFFFFFF, s11;
	s16 =	sshll.u32 @!p1 s16, $0xD;
	s14 =	ssub.s32 @!p1 s14, s15  }
0x24: {  	s15 =	sand.u32 @!p1 $0x2000, s16;
	s16 =	sadd.s32 @!p1 s6, s17;
	s14 =	sshll.u32 @!p1 s14, $0x4  }
0x25: {  	s17 =	simm.s32 @!p1 $0x6400;
	s14 =	sadd.s32 @!p1 s14, s16;
	s16 =	simm.s32 @!p1 $0x40  }
0x26: {  	[tilespmem:s15], [sflag:$0x1] =	stream.strided.gather @!p1 [hbm4b:s14+s16], $0x2000, s17, s16, $0x38;
	[tilespmem:$0x8080] =	vst v63  }
0x27: {  	p1 =	sge.u32 s31, s5  }
.Ltmp2:
0x28: {  	_ = 	snop;
	(pc) =	sbr.rel @p1 .LBB1_5-.Ltmp2, $1  }
0x29: {  	_ =	sdelay $0x3  }
0x2a: {  	s14 =	simm.s32 $0x1  }
0x2b: {  	_ =	swait.ge [sflag:s4], $0x2000;
	s14 =	simm.s32 @!p0 $0x0  }
0x2c: {  	[sflag:s4] =	ssyncset.done $0x0;
	s15 =	sshll.u32 s14, $0xD  }
0x2d: {  	[sflag:s4] =	ssyncadd.s32 $0xFFFFE000;
	s18 =	sor.u32 $0x20, s15  }
0x2e: {  	s14 =	smul.u32 $0x8100, s14;
	v3 =	vld [tilespmem:s18+$0x10]  }
0x2f: {  	s30 =	sand.u32 $0x1, s11;
	v2 =	vld [tilespmem:s18+$0xFFFFFFF0]  }
0x30: {  	s15 =	smul.u32 $0x8100, s30;
	s14 =	sshrl.u32 s14, $0x2;
	v0 =	vld [tilespmem:s18+$0x0]  }
0x31: {  	v1 =	vld [tilespmem:s18+$0xFFFFFFE0];
	s16 =	sor.u32 $0x4000, s14  }
0x32: {  	s31 =	sshrl.u32 s15, $0x2;
	s15 =	sadd.s32 $0x0, s16  }
0x33: {  	s17 =	simm.s32 $0x4;
	s18 =	sadd.s32 $0x40, s18;
	s14 =	sor.u32 $0x4000, s31;
	[tilespmem:s15+$0x1830 ss:$0x81] =	vst.msk $0xffff, v3  }
.LBB1_3:
0x34: {  	v3 =	vld [tilespmem:s18+$0x10];
	p1 =	sne.s32 s17, $0x1FC;
	[tilespmem:s15+$0x810 ss:$0x81] =	vst.msk $0xffff, v2;
	s19 =	smov.u32 s17;
	s17 =	sadd.s32 $0x4, s17  }
.Ltmp3:
0x35: {  	v2 =	vld [tilespmem:s18+$0xFFFFFFF0];
	[tilespmem:s15+$0x1020 ss:$0x81] =	vst.msk $0xffff, v0;
	(pc) =	sbr.rel @p1 .LBB1_3-.Ltmp3, $4  }
0x36: {  	v0 =	vld [tilespmem:s18+$0x0];
	[tilespmem:s15+$0x0 ss:$0x81] =	vst.msk $0xffff, v1  }
0x37: {  	s15 =	sshra.s32 s19, $0x2;
	v1 =	vld [tilespmem:s18+$0xFFFFFFE0]  }
0x38: {  	s15 =	sadd.s32 s15, s16  }
0x39: {  	s18 =	sadd.s32 $0x40, s18;
	[tilespmem:s15+$0x1830 ss:$0x81] =	vst.msk $0xffff, v3  }
.Ltmp4:
0x3a: {  	_ = 	snop;
	(pc) =	sbr.rel .LBB1_4-.Ltmp4, $1  }
0x3b: {  	_ =	sdelay $0x3  }
.LBB1_6:
0x3c: {  	_ =	sfence.sel $0x180000  }
0x3d: {  	s2 =	simm.s32 $0x1;
	[bflag:$0x0] =	sbarrier.arrive $0xFFFF  }
0x3e: {  	s31 =	simm.s32 $0x2;
	[sflag:s2] =	ssyncpa.u1 $0x1  }
0x3f: {  	[sflag:s31] =	ssyncpa.u1 $0x1  }
0x40: {  	p0 =	sne.s32 s0, $0x0;
	_ =	strace $0x9000004A  }
0x41: {  	s0 =	sadd.s32 @!p0 $0x100000, s1;
	[bflag:$0x2] =	sbarrier.arrive $0xFFFF  }
0x42: {  	[sflag:s0] =	ssyncadd.tile.s32 @!p0 $0x1;
	_ =	shalt  }
.Lfunc_end1:
_tile_overlayer_lowered:
.L_overlay_start_2:
0x43: {  	(tag) =	ssettag $0x2  }
0x44: {  	s0 =	rddreg [dreg:$0x0];
	s2 =	stileid.u32  }
0x45: {  	s1 =	rddreg [dreg:$0x1];
	p0 =	sne.s32 s2, $0x0  }
0x46: {  	s3 =	rddreg [dreg:$0x2];
	[bflag:$0x3] =	sbarrier.arrive $0xFFFF;
	s2 =	simm.s32 @!p0 $0x1C01  }
0x47: {  	[timem:s3], [sflag:s2] =	dma.local @!p0 [hbm:s0], s1  }
0x48: {  	s0 =	simm.s32 @!p0 $0x1  }
0x49: {  	_ =	swait.ge @!p0 [sflag:s0], s1  }
0x4a: {  	s1 =	ssub.s32 @!p0 $0x0, s1;
	[sflag:s0] =	ssyncset.done @!p0 $0x0  }
0x4b: {  	[sflag:s0] =	ssyncadd.s32 @!p0 s1  }
0x4c: {  	[bflag:$0x3] =	sbarrier.arrive $0xFFFF  }
0x4d: {  	_ =	shalt  }

</sc_bundles>
